<compile_context>
chip_gen: v7x
topology: tpu7x:2x2x1
jax: 0.10.2.dev20260603
libtpu: 0.0.44.dev20260713+nightly
codegen_flags: <defaults>
</compile_context>

<pallas_src>
import functools

import jax
import jax.numpy as jnp
from jax import lax
from jax.experimental import pallas as pl
from jax.experimental.pallas import tpu as pltpu
from jax.experimental.pallas import tpu_sc as plsc

T, D, E, H = 2048, 768, 8, 1024
BT = 256
NB = 15
NP = NB * BT
RC = 128
NCHUNK = T // RC

_NC = 2
_NS = 16
_NW = _NC * _NS


def _gate_route_body(x_ref, wg_ref, bg_ref, slot_ref, be_ref, nv_ref):
    f32 = jnp.float32
    scores = jnp.dot(x_ref[...], wg_ref[...], preferred_element_type=f32)
    scores = scores + bg_ref[...]
    sel = jnp.argmax(scores, axis=1).astype(jnp.int32)
    lane = lax.broadcasted_iota(jnp.int32, (T, E), 1)
    onehot = (lane == sel[:, None]).astype(f32)

    counts = jnp.sum(onehot, axis=0, keepdims=True)
    nblk = (counts.astype(jnp.int32) + (BT - 1)) // BT
    nblk_f = nblk.astype(f32)

    ei = lax.broadcasted_iota(jnp.int32, (E, E), 0)
    ej = lax.broadcasted_iota(jnp.int32, (E, E), 1)
    lt_e = (ei < ej).astype(f32)
    le_e = (ei <= ej).astype(f32)
    po = BT * jnp.dot(nblk_f, lt_e, preferred_element_type=f32)
    cum_nblk = jnp.dot(nblk_f, le_e, preferred_element_type=f32)
    nv = jnp.sum(nblk)

    ci = lax.broadcasted_iota(jnp.int32, (RC, RC), 0)
    cj = lax.broadcasted_iota(jnp.int32, (RC, RC), 1)
    w_strict = (cj < ci).astype(f32)
    carry = jnp.zeros((1, E), f32)
    for c in range(NCHUNK):
        o_c = onehot[c * RC:(c + 1) * RC, :]
        rank_c = jnp.dot(w_strict, o_c, preferred_element_type=f32) + carry
        slot_c = jnp.sum(o_c * (rank_c + po), axis=1)
        slot_ref[pl.ds(c * RC, RC)] = slot_c.astype(jnp.int32)
        carry = carry + jnp.sum(o_c, axis=0, keepdims=True)

    bi = lax.broadcasted_iota(jnp.int32, (BT, E), 0)
    be_raw = jnp.sum((cum_nblk <= bi.astype(f32)).astype(jnp.int32), axis=1)
    e_last = jnp.max(jnp.where(nblk[0] > 0,
                               lax.broadcasted_iota(jnp.int32, (E,), 0), -1))
    be_ref[...] = jnp.minimum(be_raw, e_last)
    nv_ref[...] = jnp.broadcast_to(nv, (8,))


def _gate_route(xf, Wg, bg):
    return pl.pallas_call(
        _gate_route_body,
        out_shape=[
            jax.ShapeDtypeStruct((T,), jnp.int32),
            jax.ShapeDtypeStruct((BT,), jnp.int32),
            jax.ShapeDtypeStruct((8,), jnp.int32),
        ],
    )(xf, Wg, bg)


def _gelu_exact(v):
    return 0.5 * v * (1.0 + lax.erf(v * 0.7071067811865476))


NBUF = 3


def _wslot_fetch(be_ref, j):
    jc = jnp.maximum(j, 1)
    fetch = jnp.logical_or(j == 0, be_ref[jc] != be_ref[jc - 1])
    nch = lax.fori_loop(
        1, j + 1,
        lambda i, n: n + jnp.where(be_ref[i] != be_ref[i - 1], 1, 0),
        jnp.int32(0))
    return nch % NBUF, fetch


def _mlp_body(be_ref, nv_ref, xs_ref, w1_hbm, b1_ref, w2_hbm, b2_ref, out_ref,
              w1_buf, w2_buf, s1, s2):
    b = pl.program_id(0)

    def _issue(j):
        jn = jnp.minimum(jnp.int32(j), NB - 1)
        ws, fetch = _wslot_fetch(be_ref, jn)

        @pl.when(jnp.logical_and(j < NB, fetch))
        def _():
            e = be_ref[jn]
            pltpu.make_async_copy(w1_hbm.at[e], w1_buf.at[ws], s1.at[ws]).start()
            pltpu.make_async_copy(w2_hbm.at[e], w2_buf.at[ws], s2.at[ws]).start()

    @pl.when(b == 0)
    def _():
        _issue(0)
        _issue(1)
        _issue(2)

    @pl.when(b > 0)
    def _():
        _issue(b + 2)

    ws_b, fetch_b = _wslot_fetch(be_ref, b)

    @pl.when(fetch_b)
    def _():
        e = be_ref[b]
        pltpu.make_async_copy(w1_hbm.at[e], w1_buf.at[ws_b], s1.at[ws_b]).wait()
        pltpu.make_async_copy(w2_hbm.at[e], w2_buf.at[ws_b], s2.at[ws_b]).wait()

    @pl.when(b < nv_ref[0])
    def _():
        h = jnp.dot(xs_ref[...], w1_buf[ws_b],
                    preferred_element_type=jnp.float32,
                    precision=lax.Precision.DEFAULT)
        h = _gelu_exact(h + b1_ref[0])
        o = jnp.dot(h, w2_buf[ws_b],
                    preferred_element_type=jnp.float32,
                    precision=lax.Precision.DEFAULT)
        out_ref[...] = o + b2_ref[0]


def _mlp(be, nv, xs, W1, b1, W2, b2):
    grid_spec = pltpu.PrefetchScalarGridSpec(
        num_scalar_prefetch=2,
        grid=(NB,),
        in_specs=[
            pl.BlockSpec((BT, D), lambda b, be, nv: (jnp.minimum(b, nv[0] - 1), 0)),
            pl.BlockSpec(memory_space=pltpu.MemorySpace.HBM),
            pl.BlockSpec((1, 1, H), lambda b, be, nv: (be[b], 0, 0)),
            pl.BlockSpec(memory_space=pltpu.MemorySpace.HBM),
            pl.BlockSpec((1, 1, D), lambda b, be, nv: (be[b], 0, 0)),
        ],
        out_specs=pl.BlockSpec((BT, D), lambda b, be, nv: (b, 0)),
        scratch_shapes=[
            pltpu.VMEM((NBUF, D, H), jnp.float32),
            pltpu.VMEM((NBUF, H, D), jnp.float32),
            pltpu.SemaphoreType.DMA((NBUF,)),
            pltpu.SemaphoreType.DMA((NBUF,)),
        ],
    )
    return pl.pallas_call(
        _mlp_body,
        grid_spec=grid_spec,
        out_shape=jax.ShapeDtypeStruct((NP, D), jnp.float32),
    )(be, nv, xs, W1, b1.reshape(E, 1, H), W2, b2.reshape(E, 1, D))


def _make_sc_scatter(nrows_in, nrows_out, width):
    b_per_w = nrows_in // _NW
    mesh = plsc.VectorSubcoreMesh(core_axis_name="c", subcore_axis_name="s")

    @functools.partial(
        pl.kernel,
        mesh=mesh,
        out_type=jax.ShapeDtypeStruct((nrows_out, width), jnp.float32),
        scratch_types=[
            pltpu.VMEM((b_per_w,), jnp.int32),
            pltpu.VMEM((b_per_w, width), jnp.float32),
            pltpu.SemaphoreType.DMA,
        ],
    )
    def k(rows_hbm, idx_hbm, out_hbm, idx_v, rows_v, sem):
        wid = lax.axis_index("s") * _NC + lax.axis_index("c")
        base = wid * b_per_w
        pltpu.sync_copy(idx_hbm.at[pl.ds(base, b_per_w)], idx_v)
        pltpu.sync_copy(rows_hbm.at[pl.ds(base, b_per_w)], rows_v)
        pltpu.async_copy(rows_v, out_hbm.at[idx_v], sem).wait()

    return k


def _make_sc_gather(nrows_out, width):
    b_per_w = nrows_out // _NW
    mesh = plsc.VectorSubcoreMesh(core_axis_name="c", subcore_axis_name="s")

    @functools.partial(
        pl.kernel,
        mesh=mesh,
        out_type=jax.ShapeDtypeStruct((nrows_out, width), jnp.float32),
        scratch_types=[
            pltpu.VMEM((b_per_w,), jnp.int32),
            pltpu.VMEM((b_per_w, width), jnp.float32),
            pltpu.SemaphoreType.DMA,
        ],
    )
    def k(table_hbm, idx_hbm, out_hbm, idx_v, rows_v, sem):
        wid = lax.axis_index("s") * _NC + lax.axis_index("c")
        base = wid * b_per_w
        pltpu.sync_copy(idx_hbm.at[pl.ds(base, b_per_w)], idx_v)
        pltpu.async_copy(table_hbm.at[idx_v], rows_v, sem).wait()
        pltpu.sync_copy(rows_v, out_hbm.at[pl.ds(base, b_per_w)])

    return k


_scatter_dispatch = _make_sc_scatter(T, NP, D)
_gather_combine = _make_sc_gather(T, D)


def kernel(x, Wg, bg, W1, b1, W2, b2):
    xf = x.reshape(T, D)
    slot, be, nv = _gate_route(xf, Wg, bg.reshape(1, E))
    xs = _scatter_dispatch(xf, slot)
    ys = _mlp(be, nv, xs, W1, b1, W2, b2)
    outf = _gather_combine(ys, slot)
    return outf.reshape(1, T, D), jnp.zeros((), jnp.float32)

# --- scband reference (transcript-rebuilt; emitter-appended) ---
"""Pipeline reference for scband-mo-elayer-1322849927962 (READ-ONLY COPY).

The authoritative reference and input builder live on the scoring server;
editing this copy changes nothing except your own understanding.
"""

import jax, jax.numpy as jnp
import numpy as np

B, S, D, E, H = 1, 2048, 768, 8, 1024
TOP_K = 2

def setup_inputs(seed: int = 0) -> dict:
    key = jax.random.key(seed)
    ks = jax.random.split(key, 8)
    return {
        "x": jax.random.normal(ks[0], (B, S, D), dtype=jnp.float32),
        "Wg": jax.random.normal(ks[1], (D, E), dtype=jnp.float32) * 0.02,
        "bg": jnp.zeros((E,), dtype=jnp.float32),
        "W1": jax.random.normal(ks[2], (E, D, H), dtype=jnp.float32) * 0.02,
        "b1": jnp.zeros((E, H), dtype=jnp.float32),
        "W2": jax.random.normal(ks[3], (E, H, D), dtype=jnp.float32) * 0.02,
        "b2": jnp.zeros((E, D), dtype=jnp.float32),
    }

def reference(x, Wg, bg, W1, b1, W2, b2):
    # MoELayer.forward with gate_type='top', gate_noise=0, normalize_gate=False,
    # dropout p=0 (eval semantics). Dispatch uses only topk_indices[:, 0] (top-1).
    b, s, d = x.shape
    xf = x.reshape(-1, d)                      # [T, D]
    gate_scores = xf @ Wg + bg                 # gate linear
    topk_values, topk_indices = jax.lax.top_k(gate_scores, TOP_K)
    sel = topk_indices[:, 0]                   # selected expert per token
    # Compute all experts densely (math-equivalent to per-token expert loop),
    # then select the chosen expert's output per token.
    h = jnp.einsum('td,edh->teh', xf, W1) + b1[None, :, :]
    h = jax.nn.gelu(h, approximate=False)      # nn.GELU default = exact erf GELU
    o = jnp.einsum('teh,ehd->ted', h, W2) + b2[None, :, :]
    out = o[jnp.arange(xf.shape[0]), sel]      # gather selected expert output
    out = out.reshape(b, s, d)
    l_aux = jnp.array(0.0, dtype=jnp.float32)
    return (out, l_aux)

if __name__ == "__main__":
    import jax
    _d = setup_inputs()
    print(jax.jit(kernel)(*tuple(_d.values())))

</pallas_src>

<mosaic_0001>
#map = affine_map<(d0, d1) -> (0, 0)>
#map1 = affine_map<(d0, d1) -> (0)>
module attributes {stable_mosaic.version = 14 : i64} {
  func.func @k(%arg0: i32, %arg1: i32, %arg2: memref<3840x768xf32, #tpu.memory_space<hbm>>, %arg3: memref<2048xi32, #tpu.memory_space<hbm>>, %arg4: memref<2048x768xf32, #tpu.memory_space<hbm>>, %arg5: memref<64xi32, #tpu.memory_space<vmem>>, %arg6: memref<64x768xf32, #tpu.memory_space<vmem>>, %arg7: memref<!tpu.dma_semaphore, #tpu.memory_space<semaphore_mem>>) attributes {dimension_semantics = [#tpu.dimension_semantics<core_parallel>, #tpu.dimension_semantics<subcore_parallel>], iteration_bounds = array<i64: 2, 16>, scalar_prefetch = 0 : i64, scratch_operands = 3 : i64, tpu.core_type = #tpu.core_type<sc_vector_subcore>, window_params = [{transform_indices = #map}, {transform_indices = #map1}, {transform_indices = #map}]} {
    %mul3A = arith.constant 2 : i32
    %mul3A_0 = arith.muli %arg1, %mul3A : i32
    %add3A = arith.addi %mul3A_0, %arg0 : i32
    %mul3A_1 = arith.constant 64 : i32
    %mul3A_2 = arith.muli %add3A, %mul3A_1 : i32
    "tpu.region"() ({
      %run_scoped3A = tpu.sem_alloc : memref<!tpu.dma_semaphore, #tpu.memory_space<semaphore_mem>>
      %dma_start3A_7 = tpu.memref_slice %arg3[%mul3A_2] : memref<2048xi32, #tpu.memory_space<hbm>> -> memref<64xi32, #tpu.memory_space<hbm>>
      %dma_start3A_8 = tpu.memref_slice %arg3[%mul3A_2] : memref<2048xi32, #tpu.memory_space<hbm>> -> memref<64xi32, #tpu.memory_space<hbm>>
      tpu.enqueue_dma source(%dma_start3A_8 : memref<64xi32, #tpu.memory_space<hbm>>) target(%arg5 : memref<64xi32, #tpu.memory_space<vmem>>) target_semaphore(%run_scoped3A : memref<!tpu.dma_semaphore, #tpu.memory_space<semaphore_mem>>)
      %dma_wait3A_9 = tpu.memref_slice %arg3[%mul3A_2] : memref<2048xi32, #tpu.memory_space<hbm>> -> memref<64xi32, #tpu.memory_space<hbm>>
      %dma_wait3A_10 = tpu.memref_slice %arg3[%mul3A_2] : memref<2048xi32, #tpu.memory_space<hbm>> -> memref<64xi32, #tpu.memory_space<hbm>>
      tpu.wait_dma2 semaphore(%run_scoped3A : memref<!tpu.dma_semaphore, #tpu.memory_space<semaphore_mem>>) src(%dma_wait3A_10 : memref<64xi32, #tpu.memory_space<hbm>>) dst(%arg5 : memref<64xi32, #tpu.memory_space<vmem>>)
      tpu.yield
    }) : () -> ()
    %dma_start3A = arith.constant 0 : i32
    %dma_start3A_3 = arith.constant 0 : i32
    %dma_start3A_4 = tpu.memref_slice %arg2[%dma_start3A, %dma_start3A_3] : memref<3840x768xf32, #tpu.memory_space<hbm>> -> memref<3840x768xf32, #tpu.memory_space<hbm>>
    tpu.enqueue_indirect_dma source(%dma_start3A_4 : memref<3840x768xf32, #tpu.memory_space<hbm>>) target(%arg6 : memref<64x768xf32, #tpu.memory_space<vmem>>) offsets(%arg5 : memref<64xi32, #tpu.memory_space<vmem>>) semaphore(%arg7 : memref<!tpu.dma_semaphore, #tpu.memory_space<semaphore_mem>>)
    %dma_wait3A = arith.constant 0 : i32
    %dma_wait3A_5 = arith.constant 0 : i32
    %dma_wait3A_6 = tpu.memref_slice %arg2[%dma_wait3A, %dma_wait3A_5] : memref<3840x768xf32, #tpu.memory_space<hbm>> -> memref<3840x768xf32, #tpu.memory_space<hbm>>
    tpu.wait_indirect_dma semaphore(%arg7 : memref<!tpu.dma_semaphore, #tpu.memory_space<semaphore_mem>>) src(%dma_wait3A_6 : memref<3840x768xf32, #tpu.memory_space<hbm>>) dst(%arg6 : memref<64x768xf32, #tpu.memory_space<vmem>>)
    "tpu.region"() ({
      %run_scoped3A = tpu.sem_alloc : memref<!tpu.dma_semaphore, #tpu.memory_space<semaphore_mem>>
      %dma_start3A_7 = arith.constant 0 : i32
      %dma_start3A_8 = tpu.memref_slice %arg4[%mul3A_2, %dma_start3A_7] : memref<2048x768xf32, #tpu.memory_space<hbm>> -> memref<64x768xf32, #tpu.memory_space<hbm>>
      %dma_start3A_9 = arith.constant 0 : i32
      %dma_start3A_10 = tpu.memref_slice %arg4[%mul3A_2, %dma_start3A_9] : memref<2048x768xf32, #tpu.memory_space<hbm>> -> memref<64x768xf32, #tpu.memory_space<hbm>>
      tpu.enqueue_dma source(%arg6 : memref<64x768xf32, #tpu.memory_space<vmem>>) target(%dma_start3A_10 : memref<64x768xf32, #tpu.memory_space<hbm>>) target_semaphore(%run_scoped3A : memref<!tpu.dma_semaphore, #tpu.memory_space<semaphore_mem>>)
      %dma_wait3A_11 = arith.constant 0 : i32
      %dma_wait3A_12 = tpu.memref_slice %arg4[%mul3A_2, %dma_wait3A_11] : memref<2048x768xf32, #tpu.memory_space<hbm>> -> memref<64x768xf32, #tpu.memory_space<hbm>>
      %dma_wait3A_13 = arith.constant 0 : i32
      %dma_wait3A_14 = tpu.memref_slice %arg4[%mul3A_2, %dma_wait3A_13] : memref<2048x768xf32, #tpu.memory_space<hbm>> -> memref<64x768xf32, #tpu.memory_space<hbm>>
      tpu.wait_dma2 semaphore(%run_scoped3A : memref<!tpu.dma_semaphore, #tpu.memory_space<semaphore_mem>>) src(%arg6 : memref<64x768xf32, #tpu.memory_space<vmem>>) dst(%dma_wait3A_14 : memref<64x768xf32, #tpu.memory_space<hbm>>)
      tpu.yield
    }) : () -> ()
    return
  }
}

#map = affine_map<(d0, d1) -> (0, 0)>
#map1 = affine_map<(d0, d1) -> (0)>
module attributes {stable_mosaic.version = 14 : i64} {
  func.func @k(%arg0: i32, %arg1: i32, %arg2: memref<2048x768xf32, #tpu.memory_space<hbm>>, %arg3: memref<2048xi32, #tpu.memory_space<hbm>>, %arg4: memref<3840x768xf32, #tpu.memory_space<hbm>>, %arg5: memref<64xi32, #tpu.memory_space<vmem>>, %arg6: memref<64x768xf32, #tpu.memory_space<vmem>>, %arg7: memref<!tpu.dma_semaphore, #tpu.memory_space<semaphore_mem>>) attributes {dimension_semantics = [#tpu.dimension_semantics<core_parallel>, #tpu.dimension_semantics<subcore_parallel>], iteration_bounds = array<i64: 2, 16>, scalar_prefetch = 0 : i64, scratch_operands = 3 : i64, tpu.core_type = #tpu.core_type<sc_vector_subcore>, window_params = [{transform_indices = #map}, {transform_indices = #map1}, {transform_indices = #map}]} {
    %mul3A = arith.constant 2 : i32
    %mul3A_0 = arith.muli %arg1, %mul3A : i32
    %add3A = arith.addi %mul3A_0, %arg0 : i32
    %mul3A_1 = arith.constant 64 : i32
    %mul3A_2 = arith.muli %add3A, %mul3A_1 : i32
    "tpu.region"() ({
      %run_scoped3A = tpu.sem_alloc : memref<!tpu.dma_semaphore, #tpu.memory_space<semaphore_mem>>
      %dma_start3A_7 = tpu.memref_slice %arg3[%mul3A_2] : memref<2048xi32, #tpu.memory_space<hbm>> -> memref<64xi32, #tpu.memory_space<hbm>>
      %dma_start3A_8 = tpu.memref_slice %arg3[%mul3A_2] : memref<2048xi32, #tpu.memory_space<hbm>> -> memref<64xi32, #tpu.memory_space<hbm>>
      tpu.enqueue_dma source(%dma_start3A_8 : memref<64xi32, #tpu.memory_space<hbm>>) target(%arg5 : memref<64xi32, #tpu.memory_space<vmem>>) target_semaphore(%run_scoped3A : memref<!tpu.dma_semaphore, #tpu.memory_space<semaphore_mem>>)
      %dma_wait3A_9 = tpu.memref_slice %arg3[%mul3A_2] : memref<2048xi32, #tpu.memory_space<hbm>> -> memref<64xi32, #tpu.memory_space<hbm>>
      %dma_wait3A_10 = tpu.memref_slice %arg3[%mul3A_2] : memref<2048xi32, #tpu.memory_space<hbm>> -> memref<64xi32, #tpu.memory_space<hbm>>
      tpu.wait_dma2 semaphore(%run_scoped3A : memref<!tpu.dma_semaphore, #tpu.memory_space<semaphore_mem>>) src(%dma_wait3A_10 : memref<64xi32, #tpu.memory_space<hbm>>) dst(%arg5 : memref<64xi32, #tpu.memory_space<vmem>>)
      tpu.yield
    }) : () -> ()
    "tpu.region"() ({
      %run_scoped3A = tpu.sem_alloc : memref<!tpu.dma_semaphore, #tpu.memory_space<semaphore_mem>>
      %dma_start3A_7 = arith.constant 0 : i32
      %dma_start3A_8 = tpu.memref_slice %arg2[%mul3A_2, %dma_start3A_7] : memref<2048x768xf32, #tpu.memory_space<hbm>> -> memref<64x768xf32, #tpu.memory_space<hbm>>
      %dma_start3A_9 = arith.constant 0 : i32
      %dma_start3A_10 = tpu.memref_slice %arg2[%mul3A_2, %dma_start3A_9] : memref<2048x768xf32, #tpu.memory_space<hbm>> -> memref<64x768xf32, #tpu.memory_space<hbm>>
      tpu.enqueue_dma source(%dma_start3A_10 : memref<64x768xf32, #tpu.memory_space<hbm>>) target(%arg6 : memref<64x768xf32, #tpu.memory_space<vmem>>) target_semaphore(%run_scoped3A : memref<!tpu.dma_semaphore, #tpu.memory_space<semaphore_mem>>)
      %dma_wait3A_11 = arith.constant 0 : i32
      %dma_wait3A_12 = tpu.memref_slice %arg2[%mul3A_2, %dma_wait3A_11] : memref<2048x768xf32, #tpu.memory_space<hbm>> -> memref<64x768xf32, #tpu.memory_space<hbm>>
      %dma_wait3A_13 = arith.constant 0 : i32
      %dma_wait3A_14 = tpu.memref_slice %arg2[%mul3A_2, %dma_wait3A_13] : memref<2048x768xf32, #tpu.memory_space<hbm>> -> memref<64x768xf32, #tpu.memory_space<hbm>>
      tpu.wait_dma2 semaphore(%run_scoped3A : memref<!tpu.dma_semaphore, #tpu.memory_space<semaphore_mem>>) src(%dma_wait3A_14 : memref<64x768xf32, #tpu.memory_space<hbm>>) dst(%arg6 : memref<64x768xf32, #tpu.memory_space<vmem>>)
      tpu.yield
    }) : () -> ()
    %dma_start3A = arith.constant 0 : i32
    %dma_start3A_3 = arith.constant 0 : i32
    %dma_start3A_4 = tpu.memref_slice %arg4[%dma_start3A, %dma_start3A_3] : memref<3840x768xf32, #tpu.memory_space<hbm>> -> memref<3840x768xf32, #tpu.memory_space<hbm>>
    tpu.enqueue_indirect_dma source(%arg6 : memref<64x768xf32, #tpu.memory_space<vmem>>) target(%dma_start3A_4 : memref<3840x768xf32, #tpu.memory_space<hbm>>) offsets(%arg5 : memref<64xi32, #tpu.memory_space<vmem>>) semaphore(%arg7 : memref<!tpu.dma_semaphore, #tpu.memory_space<semaphore_mem>>)
    %dma_wait3A = arith.constant 0 : i32
    %dma_wait3A_5 = arith.constant 0 : i32
    %dma_wait3A_6 = tpu.memref_slice %arg4[%dma_wait3A, %dma_wait3A_5] : memref<3840x768xf32, #tpu.memory_space<hbm>> -> memref<3840x768xf32, #tpu.memory_space<hbm>>
    tpu.wait_indirect_dma semaphore(%arg7 : memref<!tpu.dma_semaphore, #tpu.memory_space<semaphore_mem>>) src(%arg6 : memref<64x768xf32, #tpu.memory_space<vmem>>) dst(%dma_wait3A_6 : memref<3840x768xf32, #tpu.memory_space<hbm>>)
    return
  }
}

module attributes {stable_mosaic.version = 14 : i64} {
  func.func @_gate_route_body(%arg0: memref<2048x768xf32, #tpu.memory_space<vmem>>, %arg1: memref<768x8xf32, #tpu.memory_space<vmem>>, %arg2: memref<1x8xf32, #tpu.memory_space<vmem>>, %arg3: memref<2048xi32, #tpu.memory_space<vmem>>, %arg4: memref<256xi32, #tpu.memory_space<vmem>>, %arg5: memref<8xi32, #tpu.memory_space<vmem>>) attributes {dimension_semantics = [], scalar_prefetch = 0 : i64, scratch_operands = 0 : i64, tpu.core_type = #tpu.core_type<tc>} {
    %get3A = arith.constant 0 : index
    %get3A_0 = arith.constant 0 : index
    %get3A_1 = vector.load %arg0[%get3A, %get3A_0] : memref<2048x768xf32, #tpu.memory_space<vmem>>, vector<2048x768xf32>
    %get3A_2 = arith.constant 0 : index
    %get3A_3 = arith.constant 0 : index
    %get3A_4 = vector.load %arg1[%get3A_2, %get3A_3] : memref<768x8xf32, #tpu.memory_space<vmem>>, vector<768x8xf32>
    %dot_general3A = arith.constant dense<0.000000e+00> : vector<2048x8xf32>
    %dot_general3A_5 = tpu.matmul %get3A_1, %get3A_4, %dot_general3A {dimension_numbers = #tpu.dot_dimension_numbers<[1], [0], [0], [1], [0, 0, 1, 1], [], []>, transpose_lhs_hint = false} : vector<2048x768xf32>, vector<768x8xf32>, vector<2048x8xf32> -> vector<2048x8xf32>
    %get3A_6 = arith.constant 0 : index
    %get3A_7 = arith.constant 0 : index
    %get3A_8 = vector.load %arg2[%get3A_6, %get3A_7] : memref<1x8xf32, #tpu.memory_space<vmem>>, vector<1x8xf32>
    %add3A = vector.broadcast %get3A_8 : vector<1x8xf32> to vector<2048x8xf32>
    %add3A_9 = arith.addf %dot_general3A_5, %add3A : vector<2048x8xf32>
    %argmax3A = tpu.reduce_index %add3A_9 {axis = 1 : i32, kind = #tpu.reduction_kind<arg_max>} : vector<2048x8xf32> -> vector<2048xi32>
    %iota3A = tpu.iota {dimensions = array<i32: 1>} : vector<2048x8xi32>
    %broadcast_in_dim3A = vector.shape_cast %argmax3A : vector<2048xi32> to vector<2048x1xi32>
    %eq3A = vector.broadcast %broadcast_in_dim3A : vector<2048x1xi32> to vector<2048x8xi32>
    %eq3A_10 = arith.cmpi eq, %iota3A, %eq3A : vector<2048x8xi32>
    %convert_element_type3A = arith.extui %eq3A_10 : vector<2048x8xi1> to vector<2048x8xi32>
    %convert_element_type3A_11 = arith.sitofp %convert_element_type3A : vector<2048x8xi32> to vector<2048x8xf32>
    %reduce_sum3A = arith.constant dense<0.000000e+00> : vector<8xf32>
    %reduce_sum3A_12 = vector.multi_reduction <add>, %convert_element_type3A_11, %reduce_sum3A [0] : vector<2048x8xf32> to vector<8xf32>
    %broadcast_in_dim3A_13 = vector.shape_cast %reduce_sum3A_12 : vector<8xf32> to vector<1x8xf32>
    %convert_element_type3A_14 = arith.fptosi %broadcast_in_dim3A_13 : vector<1x8xf32> to vector<1x8xi32>
    %add3A_15 = arith.constant 255 : i32
    %add3A_16 = vector.broadcast %add3A_15 : i32 to vector<1x8xi32>
    %add3A_17 = arith.addi %convert_element_type3A_14, %add3A_16 : vector<1x8xi32>
    %jit3A = arith.constant 256 : i32
    %div3A = vector.broadcast %jit3A : i32 to vector<1x8xi32>
    %div3A_18 = arith.divsi %add3A_17, %div3A : vector<1x8xi32>
    %sign3A = arith.constant 0 : i32
    %sign3A_19 = vector.broadcast %sign3A : i32 to vector<1x8xi32>
    %sign3A_20 = arith.cmpi sgt, %add3A_17, %sign3A_19 : vector<1x8xi32>
    %sign3A_21 = arith.extui %sign3A_20 : vector<1x8xi1> to vector<1x8xi32>
    %sign3A_22 = arith.constant 0 : i32
    %sign3A_23 = vector.broadcast %sign3A_22 : i32 to vector<1x8xi32>
    %sign3A_24 = arith.cmpi slt, %add3A_17, %sign3A_23 : vector<1x8xi32>
    %sign3A_25 = arith.extui %sign3A_24 : vector<1x8xi1> to vector<1x8xi32>
    %sign3A_26 = arith.subi %sign3A_21, %sign3A_25 : vector<1x8xi32>
    %sign3A_27 = arith.constant 0 : i32
    %sign3A_28 = arith.cmpi sgt, %jit3A, %sign3A_27 : i32
    %sign3A_29 = arith.extui %sign3A_28 : i1 to i32
    %sign3A_30 = arith.constant 0 : i32
    %sign3A_31 = arith.cmpi slt, %jit3A, %sign3A_30 : i32
    %sign3A_32 = arith.extui %sign3A_31 : i1 to i32
    %sign3A_33 = arith.subi %sign3A_29, %sign3A_32 : i32
    %ne3A = vector.broadcast %sign3A_33 : i32 to vector<1x8xi32>
    %ne3A_34 = arith.cmpi ne, %sign3A_26, %ne3A : vector<1x8xi32>
    %rem3A = vector.broadcast %jit3A : i32 to vector<1x8xi32>
    %rem3A_35 = arith.remsi %add3A_17, %rem3A : vector<1x8xi32>
    %ne3A_36 = arith.constant 0 : i32
    %ne3A_37 = vector.broadcast %ne3A_36 : i32 to vector<1x8xi32>
    %ne3A_38 = arith.cmpi ne, %rem3A_35, %ne3A_37 : vector<1x8xi32>
    %and3A = arith.andi %ne3A_34, %ne3A_38 : vector<1x8xi1>
    %sub3A = arith.constant 1 : i32
    %sub3A_39 = vector.broadcast %sub3A : i32 to vector<1x8xi32>
    %sub3A_40 = arith.subi %div3A_18, %sub3A_39 : vector<1x8xi32>
    %select_n3A = arith.select %and3A, %sub3A_40, %div3A_18 : vector<1x8xi1>, vector<1x8xi32>
    %convert_element_type3A_41 = arith.sitofp %select_n3A : vector<1x8xi32> to vector<1x8xf32>
    %iota3A_42 = tpu.iota {dimensions = array<i32: 0>} : vector<8x8xi32>
    %iota3A_43 = tpu.iota {dimensions = array<i32: 1>} : vector<8x8xi32>
    %lt3A = arith.cmpi slt, %iota3A_42, %iota3A_43 : vector<8x8xi32>
    %convert_element_type3A_44 = arith.extui %lt3A : vector<8x8xi1> to vector<8x8xi32>
    %convert_element_type3A_45 = arith.sitofp %convert_element_type3A_44 : vector<8x8xi32> to vector<8x8xf32>
    %le3A = arith.cmpi sle, %iota3A_42, %iota3A_43 : vector<8x8xi32>
    %convert_element_type3A_46 = arith.extui %le3A : vector<8x8xi1> to vector<8x8xi32>
    %convert_element_type3A_47 = arith.sitofp %convert_element_type3A_46 : vector<8x8xi32> to vector<8x8xf32>
    %dot_general3A_48 = arith.constant dense<0.000000e+00> : vector<1x8xf32>
    %dot_general3A_49 = tpu.matmul %convert_element_type3A_41, %convert_element_type3A_45, %dot_general3A_48 {dimension_numbers = #tpu.dot_dimension_numbers<[1], [0], [0], [1], [0, 0, 1, 1], [], []>, transpose_lhs_hint = false} : vector<1x8xf32>, vector<8x8xf32>, vector<1x8xf32> -> vector<1x8xf32>
    %mul3A = arith.constant 2.560000e+02 : f32
    %mul3A_50 = vector.broadcast %mul3A : f32 to vector<1x8xf32>
    %mul3A_51 = arith.mulf %mul3A_50, %dot_general3A_49 : vector<1x8xf32>
    %dot_general3A_52 = arith.constant dense<0.000000e+00> : vector<1x8xf32>
    %dot_general3A_53 = tpu.matmul %convert_element_type3A_41, %convert_element_type3A_47, %dot_general3A_52 {dimension_numbers = #tpu.dot_dimension_numbers<[1], [0], [0], [1], [0, 0, 1, 1], [], []>, transpose_lhs_hint = false} : vector<1x8xf32>, vector<8x8xf32>, vector<1x8xf32> -> vector<1x8xf32>
    %reduce_sum3A_54 = vector.shape_cast %select_n3A : vector<1x8xi32> to vector<1x1x8xi32>
    %reduce_sum3A_55 = arith.constant dense<0> : vector<1xi32>
    %reduce_sum3A_56 = vector.multi_reduction <add>, %reduce_sum3A_54, %reduce_sum3A_55 [1, 2] : vector<1x1x8xi32> to vector<1xi32>
    %reduce_sum3A_57 = vector.shape_cast %reduce_sum3A_56 : vector<1xi32> to vector<1x1x1xi32>
    %reduce_sum3A_58 = vector.extract %reduce_sum3A_57[0, 0, 0] : i32 from vector<1x1x1xi32>
    %iota3A_59 = tpu.iota {dimensions = array<i32: 0>} : vector<128x128xi32>
    %iota3A_60 = tpu.iota {dimensions = array<i32: 1>} : vector<128x128xi32>
    %lt3A_61 = arith.cmpi slt, %iota3A_60, %iota3A_59 : vector<128x128xi32>
    %convert_element_type3A_62 = arith.extui %lt3A_61 : vector<128x128xi1> to vector<128x128xi32>
    %convert_element_type3A_63 = arith.sitofp %convert_element_type3A_62 : vector<128x128xi32> to vector<128x128xf32>
    %broadcast_in_dim3A_64 = arith.constant 0.000000e+00 : f32
    %broadcast_in_dim3A_65 = vector.broadcast %broadcast_in_dim3A_64 : f32 to vector<1x8xf32>
    %slice3A = vector.extract_strided_slice %convert_element_type3A_11 {offsets = [0, 0], sizes = [128, 8], strides = [1, 1]} : vector<2048x8xf32> to vector<128x8xf32>
    %dot_general3A_66 = arith.constant dense<0.000000e+00> : vector<128x8xf32>
    %dot_general3A_67 = tpu.matmul %convert_element_type3A_63, %slice3A, %dot_general3A_66 {dimension_numbers = #tpu.dot_dimension_numbers<[1], [0], [0], [1], [0, 0, 1, 1], [], []>, transpose_lhs_hint = false} : vector<128x128xf32>, vector<128x8xf32>, vector<128x8xf32> -> vector<128x8xf32>
    %add3A_68 = vector.broadcast %broadcast_in_dim3A_65 : vector<1x8xf32> to vector<128x8xf32>
    %add3A_69 = arith.addf %dot_general3A_67, %add3A_68 : vector<128x8xf32>
    %add3A_70 = vector.broadcast %mul3A_51 : vector<1x8xf32> to vector<128x8xf32>
    %add3A_71 = arith.addf %add3A_69, %add3A_70 : vector<128x8xf32>
    %mul3A_72 = arith.mulf %slice3A, %add3A_71 : vector<128x8xf32>
    %reduce_sum3A_73 = arith.constant dense<0.000000e+00> : vector<128xf32>
    %reduce_sum3A_74 = vector.multi_reduction <add>, %mul3A_72, %reduce_sum3A_73 [1] : vector<128x8xf32> to vector<128xf32>
    %convert_element_type3A_75 = arith.fptosi %reduce_sum3A_74 : vector<128xf32> to vector<128xi32>
    %swap3A = arith.constant 0 : index
    %swap3A_76 = vector.load %arg3[%swap3A] : memref<2048xi32, #tpu.memory_space<vmem>>, vector<128xi32>
    tpu.vector_store %arg3[%swap3A], %convert_element_type3A_75 {strides = array<i32>} : memref<2048xi32, #tpu.memory_space<vmem>>, vector<128xi32>,
    %reduce_sum3A_77 = arith.constant dense<0.000000e+00> : vector<8xf32>
    %reduce_sum3A_78 = vector.multi_reduction <add>, %slice3A, %reduce_sum3A_77 [0] : vector<128x8xf32> to vector<8xf32>
    %broadcast_in_dim3A_79 = vector.shape_cast %reduce_sum3A_78 : vector<8xf32> to vector<1x8xf32>
    %add3A_80 = arith.addf %broadcast_in_dim3A_65, %broadcast_in_dim3A_79 : vector<1x8xf32>
    %slice3A_81 = vector.extract_strided_slice %convert_element_type3A_11 {offsets = [128, 0], sizes = [128, 8], strides = [1, 1]} : vector<2048x8xf32> to vector<128x8xf32>
    %dot_general3A_82 = arith.constant dense<0.000000e+00> : vector<128x8xf32>
    %dot_general3A_83 = tpu.matmul %convert_element_type3A_63, %slice3A_81, %dot_general3A_82 {dimension_numbers = #tpu.dot_dimension_numbers<[1], [0], [0], [1], [0, 0, 1, 1], [], []>, transpose_lhs_hint = false} : vector<128x128xf32>, vector<128x8xf32>, vector<128x8xf32> -> vector<128x8xf32>
    %add3A_84 = vector.broadcast %add3A_80 : vector<1x8xf32> to vector<128x8xf32>
    %add3A_85 = arith.addf %dot_general3A_83, %add3A_84 : vector<128x8xf32>
    %add3A_86 = vector.broadcast %mul3A_51 : vector<1x8xf32> to vector<128x8xf32>
    %add3A_87 = arith.addf %add3A_85, %add3A_86 : vector<128x8xf32>
    %mul3A_88 = arith.mulf %slice3A_81, %add3A_87 : vector<128x8xf32>
    %reduce_sum3A_89 = arith.constant dense<0.000000e+00> : vector<128xf32>
    %reduce_sum3A_90 = vector.multi_reduction <add>, %mul3A_88, %reduce_sum3A_89 [1] : vector<128x8xf32> to vector<128xf32>
    %convert_element_type3A_91 = arith.fptosi %reduce_sum3A_90 : vector<128xf32> to vector<128xi32>
    %swap3A_92 = arith.constant 128 : index
    %swap3A_93 = vector.load %arg3[%swap3A_92] : memref<2048xi32, #tpu.memory_space<vmem>>, vector<128xi32>
    tpu.vector_store %arg3[%swap3A_92], %convert_element_type3A_91 {strides = array<i32>} : memref<2048xi32, #tpu.memory_space<vmem>>, vector<128xi32>,
    %reduce_sum3A_94 = arith.constant dense<0.000000e+00> : vector<8xf32>
    %reduce_sum3A_95 = vector.multi_reduction <add>, %slice3A_81, %reduce_sum3A_94 [0] : vector<128x8xf32> to vector<8xf32>
    %broadcast_in_dim3A_96 = vector.shape_cast %reduce_sum3A_95 : vector<8xf32> to vector<1x8xf32>
    %add3A_97 = arith.addf %add3A_80, %broadcast_in_dim3A_96 : vector<1x8xf32>
    %slice3A_98 = vector.extract_strided_slice %convert_element_type3A_11 {offsets = [256, 0], sizes = [128, 8], strides = [1, 1]} : vector<2048x8xf32> to vector<128x8xf32>
    %dot_general3A_99 = arith.constant dense<0.000000e+00> : vector<128x8xf32>
    %dot_general3A_100 = tpu.matmul %convert_element_type3A_63, %slice3A_98, %dot_general3A_99 {dimension_numbers = #tpu.dot_dimension_numbers<[1], [0], [0], [1], [0, 0, 1, 1], [], []>, transpose_lhs_hint = false} : vector<128x128xf32>, vector<128x8xf32>, vector<128x8xf32> -> vector<128x8xf32>
    %add3A_101 = vector.broadcast %add3A_97 : vector<1x8xf32> to vector<128x8xf32>
    %add3A_102 = arith.addf %dot_general3A_100, %add3A_101 : vector<128x8xf32>
    %add3A_103 = vector.broadcast %mul3A_51 : vector<1x8xf32> to vector<128x8xf32>
    %add3A_104 = arith.addf %add3A_102, %add3A_103 : vector<128x8xf32>
    %mul3A_105 = arith.mulf %slice3A_98, %add3A_104 : vector<128x8xf32>
    %reduce_sum3A_106 = arith.constant dense<0.000000e+00> : vector<128xf32>
    %reduce_sum3A_107 = vector.multi_reduction <add>, %mul3A_105, %reduce_sum3A_106 [1] : vector<128x8xf32> to vector<128xf32>
    %convert_element_type3A_108 = arith.fptosi %reduce_sum3A_107 : vector<128xf32> to vector<128xi32>
    %swap3A_109 = arith.constant 256 : index
    %swap3A_110 = vector.load %arg3[%swap3A_109] : memref<2048xi32, #tpu.memory_space<vmem>>, vector<128xi32>
    tpu.vector_store %arg3[%swap3A_109], %convert_element_type3A_108 {strides = array<i32>} : memref<2048xi32, #tpu.memory_space<vmem>>, vector<128xi32>,
    %reduce_sum3A_111 = arith.constant dense<0.000000e+00> : vector<8xf32>
    %reduce_sum3A_112 = vector.multi_reduction <add>, %slice3A_98, %reduce_sum3A_111 [0] : vector<128x8xf32> to vector<8xf32>
    %broadcast_in_dim3A_113 = vector.shape_cast %reduce_sum3A_112 : vector<8xf32> to vector<1x8xf32>
    %add3A_114 = arith.addf %add3A_97, %broadcast_in_dim3A_113 : vector<1x8xf32>
    %slice3A_115 = vector.extract_strided_slice %convert_element_type3A_11 {offsets = [384, 0], sizes = [128, 8], strides = [1, 1]} : vector<2048x8xf32> to vector<128x8xf32>
    %dot_general3A_116 = arith.constant dense<0.000000e+00> : vector<128x8xf32>
    %dot_general3A_117 = tpu.matmul %convert_element_type3A_63, %slice3A_115, %dot_general3A_116 {dimension_numbers = #tpu.dot_dimension_numbers<[1], [0], [0], [1], [0, 0, 1, 1], [], []>, transpose_lhs_hint = false} : vector<128x128xf32>, vector<128x8xf32>, vector<128x8xf32> -> vector<128x8xf32>
    %add3A_118 = vector.broadcast %add3A_114 : vector<1x8xf32> to vector<128x8xf32>
    %add3A_119 = arith.addf %dot_general3A_117, %add3A_118 : vector<128x8xf32>
    %add3A_120 = vector.broadcast %mul3A_51 : vector<1x8xf32> to vector<128x8xf32>
    %add3A_121 = arith.addf %add3A_119, %add3A_120 : vector<128x8xf32>
    %mul3A_122 = arith.mulf %slice3A_115, %add3A_121 : vector<128x8xf32>
    %reduce_sum3A_123 = arith.constant dense<0.000000e+00> : vector<128xf32>
    %reduce_sum3A_124 = vector.multi_reduction <add>, %mul3A_122, %reduce_sum3A_123 [1] : vector<128x8xf32> to vector<128xf32>
    %convert_element_type3A_125 = arith.fptosi %reduce_sum3A_124 : vector<128xf32> to vector<128xi32>
    %swap3A_126 = arith.constant 384 : index
    %swap3A_127 = vector.load %arg3[%swap3A_126] : memref<2048xi32, #tpu.memory_space<vmem>>, vector<128xi32>
    tpu.vector_store %arg3[%swap3A_126], %convert_element_type3A_125 {strides = array<i32>} : memref<2048xi32, #tpu.memory_space<vmem>>, vector<128xi32>,
    %reduce_sum3A_128 = arith.constant dense<0.000000e+00> : vector<8xf32>
    %reduce_sum3A_129 = vector.multi_reduction <add>, %slice3A_115, %reduce_sum3A_128 [0] : vector<128x8xf32> to vector<8xf32>
    %broadcast_in_dim3A_130 = vector.shape_cast %reduce_sum3A_129 : vector<8xf32> to vector<1x8xf32>
    %add3A_131 = arith.addf %add3A_114, %broadcast_in_dim3A_130 : vector<1x8xf32>
    %slice3A_132 = vector.extract_strided_slice %convert_element_type3A_11 {offsets = [512, 0], sizes = [128, 8], strides = [1, 1]} : vector<2048x8xf32> to vector<128x8xf32>
    %dot_general3A_133 = arith.constant dense<0.000000e+00> : vector<128x8xf32>
    %dot_general3A_134 = tpu.matmul %convert_element_type3A_63, %slice3A_132, %dot_general3A_133 {dimension_numbers = #tpu.dot_dimension_numbers<[1], [0], [0], [1], [0, 0, 1, 1], [], []>, transpose_lhs_hint = false} : vector<128x128xf32>, vector<128x8xf32>, vector<128x8xf32> -> vector<128x8xf32>
    %add3A_135 = vector.broadcast %add3A_131 : vector<1x8xf32> to vector<128x8xf32>
    %add3A_136 = arith.addf %dot_general3A_134, %add3A_135 : vector<128x8xf32>
    %add3A_137 = vector.broadcast %mul3A_51 : vector<1x8xf32> to vector<128x8xf32>
    %add3A_138 = arith.addf %add3A_136, %add3A_137 : vector<128x8xf32>
    %mul3A_139 = arith.mulf %slice3A_132, %add3A_138 : vector<128x8xf32>
    %reduce_sum3A_140 = arith.constant dense<0.000000e+00> : vector<128xf32>
    %reduce_sum3A_141 = vector.multi_reduction <add>, %mul3A_139, %reduce_sum3A_140 [1] : vector<128x8xf32> to vector<128xf32>
    %convert_element_type3A_142 = arith.fptosi %reduce_sum3A_141 : vector<128xf32> to vector<128xi32>
    %swap3A_143 = arith.constant 512 : index
    %swap3A_144 = vector.load %arg3[%swap3A_143] : memref<2048xi32, #tpu.memory_space<vmem>>, vector<128xi32>
    tpu.vector_store %arg3[%swap3A_143], %convert_element_type3A_142 {strides = array<i32>} : memref<2048xi32, #tpu.memory_space<vmem>>, vector<128xi32>,
    %reduce_sum3A_145 = arith.constant dense<0.000000e+00> : vector<8xf32>
    %reduce_sum3A_146 = vector.multi_reduction <add>, %slice3A_132, %reduce_sum3A_145 [0] : vector<128x8xf32> to vector<8xf32>
    %broadcast_in_dim3A_147 = vector.shape_cast %reduce_sum3A_146 : vector<8xf32> to vector<1x8xf32>
    %add3A_148 = arith.addf %add3A_131, %broadcast_in_dim3A_147 : vector<1x8xf32>
    %slice3A_149 = vector.extract_strided_slice %convert_element_type3A_11 {offsets = [640, 0], sizes = [128, 8], strides = [1, 1]} : vector<2048x8xf32> to vector<128x8xf32>
    %dot_general3A_150 = arith.constant dense<0.000000e+00> : vector<128x8xf32>
    %dot_general3A_151 = tpu.matmul %convert_element_type3A_63, %slice3A_149, %dot_general3A_150 {dimension_numbers = #tpu.dot_dimension_numbers<[1], [0], [0], [1], [0, 0, 1, 1], [], []>, transpose_lhs_hint = false} : vector<128x128xf32>, vector<128x8xf32>, vector<128x8xf32> -> vector<128x8xf32>
    %add3A_152 = vector.broadcast %add3A_148 : vector<1x8xf32> to vector<128x8xf32>
    %add3A_153 = arith.addf %dot_general3A_151, %add3A_152 : vector<128x8xf32>
    %add3A_154 = vector.broadcast %mul3A_51 : vector<1x8xf32> to vector<128x8xf32>
    %add3A_155 = arith.addf %add3A_153, %add3A_154 : vector<128x8xf32>
    %mul3A_156 = arith.mulf %slice3A_149, %add3A_155 : vector<128x8xf32>
    %reduce_sum3A_157 = arith.constant dense<0.000000e+00> : vector<128xf32>
    %reduce_sum3A_158 = vector.multi_reduction <add>, %mul3A_156, %reduce_sum3A_157 [1] : vector<128x8xf32> to vector<128xf32>
    %convert_element_type3A_159 = arith.fptosi %reduce_sum3A_158 : vector<128xf32> to vector<128xi32>
    %swap3A_160 = arith.constant 640 : index
    %swap3A_161 = vector.load %arg3[%swap3A_160] : memref<2048xi32, #tpu.memory_space<vmem>>, vector<128xi32>
    tpu.vector_store %arg3[%swap3A_160], %convert_element_type3A_159 {strides = array<i32>} : memref<2048xi32, #tpu.memory_space<vmem>>, vector<128xi32>,
    %reduce_sum3A_162 = arith.constant dense<0.000000e+00> : vector<8xf32>
    %reduce_sum3A_163 = vector.multi_reduction <add>, %slice3A_149, %reduce_sum3A_162 [0] : vector<128x8xf32> to vector<8xf32>
    %broadcast_in_dim3A_164 = vector.shape_cast %reduce_sum3A_163 : vector<8xf32> to vector<1x8xf32>
    %add3A_165 = arith.addf %add3A_148, %broadcast_in_dim3A_164 : vector<1x8xf32>
    %slice3A_166 = vector.extract_strided_slice %convert_element_type3A_11 {offsets = [768, 0], sizes = [128, 8], strides = [1, 1]} : vector<2048x8xf32> to vector<128x8xf32>
    %dot_general3A_167 = arith.constant dense<0.000000e+00> : vector<128x8xf32>
    %dot_general3A_168 = tpu.matmul %convert_element_type3A_63, %slice3A_166, %dot_general3A_167 {dimension_numbers = #tpu.dot_dimension_numbers<[1], [0], [0], [1], [0, 0, 1, 1], [], []>, transpose_lhs_hint = false} : vector<128x128xf32>, vector<128x8xf32>, vector<128x8xf32> -> vector<128x8xf32>
    %add3A_169 = vector.broadcast %add3A_165 : vector<1x8xf32> to vector<128x8xf32>
    %add3A_170 = arith.addf %dot_general3A_168, %add3A_169 : vector<128x8xf32>
    %add3A_171 = vector.broadcast %mul3A_51 : vector<1x8xf32> to vector<128x8xf32>
    %add3A_172 = arith.addf %add3A_170, %add3A_171 : vector<128x8xf32>
    %mul3A_173 = arith.mulf %slice3A_166, %add3A_172 : vector<128x8xf32>
    %reduce_sum3A_174 = arith.constant dense<0.000000e+00> : vector<128xf32>
    %reduce_sum3A_175 = vector.multi_reduction <add>, %mul3A_173, %reduce_sum3A_174 [1] : vector<128x8xf32> to vector<128xf32>
    %convert_element_type3A_176 = arith.fptosi %reduce_sum3A_175 : vector<128xf32> to vector<128xi32>
    %swap3A_177 = arith.constant 768 : index
    %swap3A_178 = vector.load %arg3[%swap3A_177] : memref<2048xi32, #tpu.memory_space<vmem>>, vector<128xi32>
    tpu.vector_store %arg3[%swap3A_177], %convert_element_type3A_176 {strides = array<i32>} : memref<2048xi32, #tpu.memory_space<vmem>>, vector<128xi32>,
    %reduce_sum3A_179 = arith.constant dense<0.000000e+00> : vector<8xf32>
    %reduce_sum3A_180 = vector.multi_reduction <add>, %slice3A_166, %reduce_sum3A_179 [0] : vector<128x8xf32> to vector<8xf32>
    %broadcast_in_dim3A_181 = vector.shape_cast %reduce_sum3A_180 : vector<8xf32> to vector<1x8xf32>
    %add3A_182 = arith.addf %add3A_165, %broadcast_in_dim3A_181 : vector<1x8xf32>
    %slice3A_183 = vector.extract_strided_slice %convert_element_type3A_11 {offsets = [896, 0], sizes = [128, 8], strides = [1, 1]} : vector<2048x8xf32> to vector<128x8xf32>
    %dot_general3A_184 = arith.constant dense<0.000000e+00> : vector<128x8xf32>
    %dot_general3A_185 = tpu.matmul %convert_element_type3A_63, %slice3A_183, %dot_general3A_184 {dimension_numbers = #tpu.dot_dimension_numbers<[1], [0], [0], [1], [0, 0, 1, 1], [], []>, transpose_lhs_hint = false} : vector<128x128xf32>, vector<128x8xf32>, vector<128x8xf32> -> vector<128x8xf32>
    %add3A_186 = vector.broadcast %add3A_182 : vector<1x8xf32> to vector<128x8xf32>
    %add3A_187 = arith.addf %dot_general3A_185, %add3A_186 : vector<128x8xf32>
    %add3A_188 = vector.broadcast %mul3A_51 : vector<1x8xf32> to vector<128x8xf32>
    %add3A_189 = arith.addf %add3A_187, %add3A_188 : vector<128x8xf32>
    %mul3A_190 = arith.mulf %slice3A_183, %add3A_189 : vector<128x8xf32>
    %reduce_sum3A_191 = arith.constant dense<0.000000e+00> : vector<128xf32>
    %reduce_sum3A_192 = vector.multi_reduction <add>, %mul3A_190, %reduce_sum3A_191 [1] : vector<128x8xf32> to vector<128xf32>
    %convert_element_type3A_193 = arith.fptosi %reduce_sum3A_192 : vector<128xf32> to vector<128xi32>
    %swap3A_194 = arith.constant 896 : index
    %swap3A_195 = vector.load %arg3[%swap3A_194] : memref<2048xi32, #tpu.memory_space<vmem>>, vector<128xi32>
    tpu.vector_store %arg3[%swap3A_194], %convert_element_type3A_193 {strides = array<i32>} : memref<2048xi32, #tpu.memory_space<vmem>>, vector<128xi32>,
    %reduce_sum3A_196 = arith.constant dense<0.000000e+00> : vector<8xf32>
    %reduce_sum3A_197 = vector.multi_reduction <add>, %slice3A_183, %reduce_sum3A_196 [0] : vector<128x8xf32> to vector<8xf32>
    %broadcast_in_dim3A_198 = vector.shape_cast %reduce_sum3A_197 : vector<8xf32> to vector<1x8xf32>
    %add3A_199 = arith.addf %add3A_182, %broadcast_in_dim3A_198 : vector<1x8xf32>
    %slice3A_200 = vector.extract_strided_slice %convert_element_type3A_11 {offsets = [1024, 0], sizes = [128, 8], strides = [1, 1]} : vector<2048x8xf32> to vector<128x8xf32>
    %dot_general3A_201 = arith.constant dense<0.000000e+00> : vector<128x8xf32>
    %dot_general3A_202 = tpu.matmul %convert_element_type3A_63, %slice3A_200, %dot_general3A_201 {dimension_numbers = #tpu.dot_dimension_numbers<[1], [0], [0], [1], [0, 0, 1, 1], [], []>, transpose_lhs_hint = false} : vector<128x128xf32>, vector<128x8xf32>, vector<128x8xf32> -> vector<128x8xf32>
    %add3A_203 = vector.broadcast %add3A_199 : vector<1x8xf32> to vector<128x8xf32>
    %add3A_204 = arith.addf %dot_general3A_202, %add3A_203 : vector<128x8xf32>
    %add3A_205 = vector.broadcast %mul3A_51 : vector<1x8xf32> to vector<128x8xf32>
    %add3A_206 = arith.addf %add3A_204, %add3A_205 : vector<128x8xf32>
    %mul3A_207 = arith.mulf %slice3A_200, %add3A_206 : vector<128x8xf32>
    %reduce_sum3A_208 = arith.constant dense<0.000000e+00> : vector<128xf32>
    %reduce_sum3A_209 = vector.multi_reduction <add>, %mul3A_207, %reduce_sum3A_208 [1] : vector<128x8xf32> to vector<128xf32>
    %convert_element_type3A_210 = arith.fptosi %reduce_sum3A_209 : vector<128xf32> to vector<128xi32>
    %swap3A_211 = arith.constant 1024 : index
    %swap3A_212 = vector.load %arg3[%swap3A_211] : memref<2048xi32, #tpu.memory_space<vmem>>, vector<128xi32>
    tpu.vector_store %arg3[%swap3A_211], %convert_element_type3A_210 {strides = array<i32>} : memref<2048xi32, #tpu.memory_space<vmem>>, vector<128xi32>,
    %reduce_sum3A_213 = arith.constant dense<0.000000e+00> : vector<8xf32>
    %reduce_sum3A_214 = vector.multi_reduction <add>, %slice3A_200, %reduce_sum3A_213 [0] : vector<128x8xf32> to vector<8xf32>
    %broadcast_in_dim3A_215 = vector.shape_cast %reduce_sum3A_214 : vector<8xf32> to vector<1x8xf32>
    %add3A_216 = arith.addf %add3A_199, %broadcast_in_dim3A_215 : vector<1x8xf32>
    %slice3A_217 = vector.extract_strided_slice %convert_element_type3A_11 {offsets = [1152, 0], sizes = [128, 8], strides = [1, 1]} : vector<2048x8xf32> to vector<128x8xf32>
    %dot_general3A_218 = arith.constant dense<0.000000e+00> : vector<128x8xf32>
    %dot_general3A_219 = tpu.matmul %convert_element_type3A_63, %slice3A_217, %dot_general3A_218 {dimension_numbers = #tpu.dot_dimension_numbers<[1], [0], [0], [1], [0, 0, 1, 1], [], []>, transpose_lhs_hint = false} : vector<128x128xf32>, vector<128x8xf32>, vector<128x8xf32> -> vector<128x8xf32>
    %add3A_220 = vector.broadcast %add3A_216 : vector<1x8xf32> to vector<128x8xf32>
    %add3A_221 = arith.addf %dot_general3A_219, %add3A_220 : vector<128x8xf32>
    %add3A_222 = vector.broadcast %mul3A_51 : vector<1x8xf32> to vector<128x8xf32>
    %add3A_223 = arith.addf %add3A_221, %add3A_222 : vector<128x8xf32>
    %mul3A_224 = arith.mulf %slice3A_217, %add3A_223 : vector<128x8xf32>
    %reduce_sum3A_225 = arith.constant dense<0.000000e+00> : vector<128xf32>
    %reduce_sum3A_226 = vector.multi_reduction <add>, %mul3A_224, %reduce_sum3A_225 [1] : vector<128x8xf32> to vector<128xf32>
    %convert_element_type3A_227 = arith.fptosi %reduce_sum3A_226 : vector<128xf32> to vector<128xi32>
    %swap3A_228 = arith.constant 1152 : index
    %swap3A_229 = vector.load %arg3[%swap3A_228] : memref<2048xi32, #tpu.memory_space<vmem>>, vector<128xi32>
    tpu.vector_store %arg3[%swap3A_228], %convert_element_type3A_227 {strides = array<i32>} : memref<2048xi32, #tpu.memory_space<vmem>>, vector<128xi32>,
    %reduce_sum3A_230 = arith.constant dense<0.000000e+00> : vector<8xf32>
    %reduce_sum3A_231 = vector.multi_reduction <add>, %slice3A_217, %reduce_sum3A_230 [0] : vector<128x8xf32> to vector<8xf32>
    %broadcast_in_dim3A_232 = vector.shape_cast %reduce_sum3A_231 : vector<8xf32> to vector<1x8xf32>
    %add3A_233 = arith.addf %add3A_216, %broadcast_in_dim3A_232 : vector<1x8xf32>
    %slice3A_234 = vector.extract_strided_slice %convert_element_type3A_11 {offsets = [1280, 0], sizes = [128, 8], strides = [1, 1]} : vector<2048x8xf32> to vector<128x8xf32>
    %dot_general3A_235 = arith.constant dense<0.000000e+00> : vector<128x8xf32>
    %dot_general3A_236 = tpu.matmul %convert_element_type3A_63, %slice3A_234, %dot_general3A_235 {dimension_numbers = #tpu.dot_dimension_numbers<[1], [0], [0], [1], [0, 0, 1, 1], [], []>, transpose_lhs_hint = false} : vector<128x128xf32>, vector<128x8xf32>, vector<128x8xf32> -> vector<128x8xf32>
    %add3A_237 = vector.broadcast %add3A_233 : vector<1x8xf32> to vector<128x8xf32>
    %add3A_238 = arith.addf %dot_general3A_236, %add3A_237 : vector<128x8xf32>
    %add3A_239 = vector.broadcast %mul3A_51 : vector<1x8xf32> to vector<128x8xf32>
    %add3A_240 = arith.addf %add3A_238, %add3A_239 : vector<128x8xf32>
    %mul3A_241 = arith.mulf %slice3A_234, %add3A_240 : vector<128x8xf32>
    %reduce_sum3A_242 = arith.constant dense<0.000000e+00> : vector<128xf32>
    %reduce_sum3A_243 = vector.multi_reduction <add>, %mul3A_241, %reduce_sum3A_242 [1] : vector<128x8xf32> to vector<128xf32>
    %convert_element_type3A_244 = arith.fptosi %reduce_sum3A_243 : vector<128xf32> to vector<128xi32>
    %swap3A_245 = arith.constant 1280 : index
    %swap3A_246 = vector.load %arg3[%swap3A_245] : memref<2048xi32, #tpu.memory_space<vmem>>, vector<128xi32>
    tpu.vector_store %arg3[%swap3A_245], %convert_element_type3A_244 {strides = array<i32>} : memref<2048xi32, #tpu.memory_space<vmem>>, vector<128xi32>,
    %reduce_sum3A_247 = arith.constant dense<0.000000e+00> : vector<8xf32>
    %reduce_sum3A_248 = vector.multi_reduction <add>, %slice3A_234, %reduce_sum3A_247 [0] : vector<128x8xf32> to vector<8xf32>
    %broadcast_in_dim3A_249 = vector.shape_cast %reduce_sum3A_248 : vector<8xf32> to vector<1x8xf32>
    %add3A_250 = arith.addf %add3A_233, %broadcast_in_dim3A_249 : vector<1x8xf32>
    %slice3A_251 = vector.extract_strided_slice %convert_element_type3A_11 {offsets = [1408, 0], sizes = [128, 8], strides = [1, 1]} : vector<2048x8xf32> to vector<128x8xf32>
    %dot_general3A_252 = arith.constant dense<0.000000e+00> : vector<128x8xf32>
    %dot_general3A_253 = tpu.matmul %convert_element_type3A_63, %slice3A_251, %dot_general3A_252 {dimension_numbers = #tpu.dot_dimension_numbers<[1], [0], [0], [1], [0, 0, 1, 1], [], []>, transpose_lhs_hint = false} : vector<128x128xf32>, vector<128x8xf32>, vector<128x8xf32> -> vector<128x8xf32>
    %add3A_254 = vector.broadcast %add3A_250 : vector<1x8xf32> to vector<128x8xf32>
    %add3A_255 = arith.addf %dot_general3A_253, %add3A_254 : vector<128x8xf32>
    %add3A_256 = vector.broadcast %mul3A_51 : vector<1x8xf32> to vector<128x8xf32>
    %add3A_257 = arith.addf %add3A_255, %add3A_256 : vector<128x8xf32>
    %mul3A_258 = arith.mulf %slice3A_251, %add3A_257 : vector<128x8xf32>
    %reduce_sum3A_259 = arith.constant dense<0.000000e+00> : vector<128xf32>
    %reduce_sum3A_260 = vector.multi_reduction <add>, %mul3A_258, %reduce_sum3A_259 [1] : vector<128x8xf32> to vector<128xf32>
    %convert_element_type3A_261 = arith.fptosi %reduce_sum3A_260 : vector<128xf32> to vector<128xi32>
    %swap3A_262 = arith.constant 1408 : index
    %swap3A_263 = vector.load %arg3[%swap3A_262] : memref<2048xi32, #tpu.memory_space<vmem>>, vector<128xi32>
    tpu.vector_store %arg3[%swap3A_262], %convert_element_type3A_261 {strides = array<i32>} : memref<2048xi32, #tpu.memory_space<vmem>>, vector<128xi32>,
    %reduce_sum3A_264 = arith.constant dense<0.000000e+00> : vector<8xf32>
    %reduce_sum3A_265 = vector.multi_reduction <add>, %slice3A_251, %reduce_sum3A_264 [0] : vector<128x8xf32> to vector<8xf32>
    %broadcast_in_dim3A_266 = vector.shape_cast %reduce_sum3A_265 : vector<8xf32> to vector<1x8xf32>
    %add3A_267 = arith.addf %add3A_250, %broadcast_in_dim3A_266 : vector<1x8xf32>
    %slice3A_268 = vector.extract_strided_slice %convert_element_type3A_11 {offsets = [1536, 0], sizes = [128, 8], strides = [1, 1]} : vector<2048x8xf32> to vector<128x8xf32>
    %dot_general3A_269 = arith.constant dense<0.000000e+00> : vector<128x8xf32>
    %dot_general3A_270 = tpu.matmul %convert_element_type3A_63, %slice3A_268, %dot_general3A_269 {dimension_numbers = #tpu.dot_dimension_numbers<[1], [0], [0], [1], [0, 0, 1, 1], [], []>, transpose_lhs_hint = false} : vector<128x128xf32>, vector<128x8xf32>, vector<128x8xf32> -> vector<128x8xf32>
    %add3A_271 = vector.broadcast %add3A_267 : vector<1x8xf32> to vector<128x8xf32>
    %add3A_272 = arith.addf %dot_general3A_270, %add3A_271 : vector<128x8xf32>
    %add3A_273 = vector.broadcast %mul3A_51 : vector<1x8xf32> to vector<128x8xf32>
    %add3A_274 = arith.addf %add3A_272, %add3A_273 : vector<128x8xf32>
    %mul3A_275 = arith.mulf %slice3A_268, %add3A_274 : vector<128x8xf32>
    %reduce_sum3A_276 = arith.constant dense<0.000000e+00> : vector<128xf32>
    %reduce_sum3A_277 = vector.multi_reduction <add>, %mul3A_275, %reduce_sum3A_276 [1] : vector<128x8xf32> to vector<128xf32>
    %convert_element_type3A_278 = arith.fptosi %reduce_sum3A_277 : vector<128xf32> to vector<128xi32>
    %swap3A_279 = arith.constant 1536 : index
    %swap3A_280 = vector.load %arg3[%swap3A_279] : memref<2048xi32, #tpu.memory_space<vmem>>, vector<128xi32>
    tpu.vector_store %arg3[%swap3A_279], %convert_element_type3A_278 {strides = array<i32>} : memref<2048xi32, #tpu.memory_space<vmem>>, vector<128xi32>,
    %reduce_sum3A_281 = arith.constant dense<0.000000e+00> : vector<8xf32>
    %reduce_sum3A_282 = vector.multi_reduction <add>, %slice3A_268, %reduce_sum3A_281 [0] : vector<128x8xf32> to vector<8xf32>
    %broadcast_in_dim3A_283 = vector.shape_cast %reduce_sum3A_282 : vector<8xf32> to vector<1x8xf32>
    %add3A_284 = arith.addf %add3A_267, %broadcast_in_dim3A_283 : vector<1x8xf32>
    %slice3A_285 = vector.extract_strided_slice %convert_element_type3A_11 {offsets = [1664, 0], sizes = [128, 8], strides = [1, 1]} : vector<2048x8xf32> to vector<128x8xf32>
    %dot_general3A_286 = arith.constant dense<0.000000e+00> : vector<128x8xf32>
    %dot_general3A_287 = tpu.matmul %convert_element_type3A_63, %slice3A_285, %dot_general3A_286 {dimension_numbers = #tpu.dot_dimension_numbers<[1], [0], [0], [1], [0, 0, 1, 1], [], []>, transpose_lhs_hint = false} : vector<128x128xf32>, vector<128x8xf32>, vector<128x8xf32> -> vector<128x8xf32>
    %add3A_288 = vector.broadcast %add3A_284 : vector<1x8xf32> to vector<128x8xf32>
    %add3A_289 = arith.addf %dot_general3A_287, %add3A_288 : vector<128x8xf32>
    %add3A_290 = vector.broadcast %mul3A_51 : vector<1x8xf32> to vector<128x8xf32>
    %add3A_291 = arith.addf %add3A_289, %add3A_290 : vector<128x8xf32>
    %mul3A_292 = arith.mulf %slice3A_285, %add3A_291 : vector<128x8xf32>
    %reduce_sum3A_293 = arith.constant dense<0.000000e+00> : vector<128xf32>
    %reduce_sum3A_294 = vector.multi_reduction <add>, %mul3A_292, %reduce_sum3A_293 [1] : vector<128x8xf32> to vector<128xf32>
    %convert_element_type3A_295 = arith.fptosi %reduce_sum3A_294 : vector<128xf32> to vector<128xi32>
    %swap3A_296 = arith.constant 1664 : index
    %swap3A_297 = vector.load %arg3[%swap3A_296] : memref<2048xi32, #tpu.memory_space<vmem>>, vector<128xi32>
    tpu.vector_store %arg3[%swap3A_296], %convert_element_type3A_295 {strides = array<i32>} : memref<2048xi32, #tpu.memory_space<vmem>>, vector<128xi32>,
    %reduce_sum3A_298 = arith.constant dense<0.000000e+00> : vector<8xf32>
    %reduce_sum3A_299 = vector.multi_reduction <add>, %slice3A_285, %reduce_sum3A_298 [0] : vector<128x8xf32> to vector<8xf32>
    %broadcast_in_dim3A_300 = vector.shape_cast %reduce_sum3A_299 : vector<8xf32> to vector<1x8xf32>
    %add3A_301 = arith.addf %add3A_284, %broadcast_in_dim3A_300 : vector<1x8xf32>
    %slice3A_302 = vector.extract_strided_slice %convert_element_type3A_11 {offsets = [1792, 0], sizes = [128, 8], strides = [1, 1]} : vector<2048x8xf32> to vector<128x8xf32>
    %dot_general3A_303 = arith.constant dense<0.000000e+00> : vector<128x8xf32>
    %dot_general3A_304 = tpu.matmul %convert_element_type3A_63, %slice3A_302, %dot_general3A_303 {dimension_numbers = #tpu.dot_dimension_numbers<[1], [0], [0], [1], [0, 0, 1, 1], [], []>, transpose_lhs_hint = false} : vector<128x128xf32>, vector<128x8xf32>, vector<128x8xf32> -> vector<128x8xf32>
    %add3A_305 = vector.broadcast %add3A_301 : vector<1x8xf32> to vector<128x8xf32>
    %add3A_306 = arith.addf %dot_general3A_304, %add3A_305 : vector<128x8xf32>
    %add3A_307 = vector.broadcast %mul3A_51 : vector<1x8xf32> to vector<128x8xf32>
    %add3A_308 = arith.addf %add3A_306, %add3A_307 : vector<128x8xf32>
    %mul3A_309 = arith.mulf %slice3A_302, %add3A_308 : vector<128x8xf32>
    %reduce_sum3A_310 = arith.constant dense<0.000000e+00> : vector<128xf32>
    %reduce_sum3A_311 = vector.multi_reduction <add>, %mul3A_309, %reduce_sum3A_310 [1] : vector<128x8xf32> to vector<128xf32>
    %convert_element_type3A_312 = arith.fptosi %reduce_sum3A_311 : vector<128xf32> to vector<128xi32>
    %swap3A_313 = arith.constant 1792 : index
    %swap3A_314 = vector.load %arg3[%swap3A_313] : memref<2048xi32, #tpu.memory_space<vmem>>, vector<128xi32>
    tpu.vector_store %arg3[%swap3A_313], %convert_element_type3A_312 {strides = array<i32>} : memref<2048xi32, #tpu.memory_space<vmem>>, vector<128xi32>,
    %reduce_sum3A_315 = arith.constant dense<0.000000e+00> : vector<8xf32>
    %reduce_sum3A_316 = vector.multi_reduction <add>, %slice3A_302, %reduce_sum3A_315 [0] : vector<128x8xf32> to vector<8xf32>
    %broadcast_in_dim3A_317 = vector.shape_cast %reduce_sum3A_316 : vector<8xf32> to vector<1x8xf32>
    %add3A_318 = arith.addf %add3A_301, %broadcast_in_dim3A_317 : vector<1x8xf32>
    %slice3A_319 = vector.extract_strided_slice %convert_element_type3A_11 {offsets = [1920, 0], sizes = [128, 8], strides = [1, 1]} : vector<2048x8xf32> to vector<128x8xf32>
    %dot_general3A_320 = arith.constant dense<0.000000e+00> : vector<128x8xf32>
    %dot_general3A_321 = tpu.matmul %convert_element_type3A_63, %slice3A_319, %dot_general3A_320 {dimension_numbers = #tpu.dot_dimension_numbers<[1], [0], [0], [1], [0, 0, 1, 1], [], []>, transpose_lhs_hint = false} : vector<128x128xf32>, vector<128x8xf32>, vector<128x8xf32> -> vector<128x8xf32>
    %add3A_322 = vector.broadcast %add3A_318 : vector<1x8xf32> to vector<128x8xf32>
    %add3A_323 = arith.addf %dot_general3A_321, %add3A_322 : vector<128x8xf32>
    %add3A_324 = vector.broadcast %mul3A_51 : vector<1x8xf32> to vector<128x8xf32>
    %add3A_325 = arith.addf %add3A_323, %add3A_324 : vector<128x8xf32>
    %mul3A_326 = arith.mulf %slice3A_319, %add3A_325 : vector<128x8xf32>
    %reduce_sum3A_327 = arith.constant dense<0.000000e+00> : vector<128xf32>
    %reduce_sum3A_328 = vector.multi_reduction <add>, %mul3A_326, %reduce_sum3A_327 [1] : vector<128x8xf32> to vector<128xf32>
    %convert_element_type3A_329 = arith.fptosi %reduce_sum3A_328 : vector<128xf32> to vector<128xi32>
    %swap3A_330 = arith.constant 1920 : index
    %swap3A_331 = vector.load %arg3[%swap3A_330] : memref<2048xi32, #tpu.memory_space<vmem>>, vector<128xi32>
    tpu.vector_store %arg3[%swap3A_330], %convert_element_type3A_329 {strides = array<i32>} : memref<2048xi32, #tpu.memory_space<vmem>>, vector<128xi32>,
    %iota3A_332 = tpu.iota {dimensions = array<i32: 0>} : vector<256x8xi32>
    %convert_element_type3A_333 = arith.sitofp %iota3A_332 : vector<256x8xi32> to vector<256x8xf32>
    %le3A_334 = vector.broadcast %dot_general3A_53 : vector<1x8xf32> to vector<256x8xf32>
    %le3A_335 = arith.cmpf ole, %le3A_334, %convert_element_type3A_333 : vector<256x8xf32>
    %convert_element_type3A_336 = arith.extui %le3A_335 : vector<256x8xi1> to vector<256x8xi32>
    %reduce_sum3A_337 = arith.constant dense<0> : vector<256xi32>
    %reduce_sum3A_338 = vector.multi_reduction <add>, %convert_element_type3A_336, %reduce_sum3A_337 [1] : vector<256x8xi32> to vector<256xi32>
    %squeeze3A = vector.shape_cast %select_n3A : vector<1x8xi32> to vector<8xi32>
    %gt3A = arith.constant 0 : i32
    %gt3A_339 = vector.broadcast %gt3A : i32 to vector<8xi32>
    %gt3A_340 = arith.cmpi sgt, %squeeze3A, %gt3A_339 : vector<8xi32>
    %iota3A_341 = tpu.iota {dimensions = array<i32: 1>} : vector<1x8xi32>
    %iota3A_342 = vector.shape_cast %iota3A_341 : vector<1x8xi32> to vector<8xi32>
    %jit3A_343 = arith.constant -1 : i32
    %broadcast_in_dim3A_344 = vector.broadcast %jit3A_343 : i32 to vector<8xi32>
    %select_n3A_345 = arith.select %gt3A_340, %iota3A_342, %broadcast_in_dim3A_344 : vector<8xi1>, vector<8xi32>
    %reduce_max3A = vector.shape_cast %select_n3A_345 : vector<8xi32> to vector<1x8xi32>
    %reduce_max3A_346 = arith.constant dense<-2147483648> : vector<1xi32>
    %reduce_max3A_347 = vector.multi_reduction <maxsi>, %reduce_max3A, %reduce_max3A_346 [1] : vector<1x8xi32> to vector<1xi32>
    %reduce_max3A_348 = vector.shape_cast %reduce_max3A_347 : vector<1xi32> to vector<1x1xi32>
    %reduce_max3A_349 = vector.extract %reduce_max3A_348[0, 0] : i32 from vector<1x1xi32>
    %min3A = vector.broadcast %reduce_max3A_349 : i32 to vector<256xi32>
    %min3A_350 = arith.minsi %reduce_sum3A_338, %min3A : vector<256xi32>
    %swap3A_351 = arith.constant 0 : index
    %swap3A_352 = vector.load %arg4[%swap3A_351] : memref<256xi32, #tpu.memory_space<vmem>>, vector<256xi32>
    tpu.vector_store %arg4[%swap3A_351], %min3A_350 {strides = array<i32>} : memref<256xi32, #tpu.memory_space<vmem>>, vector<256xi32>,
    %broadcast_in_dim3A_353 = vector.broadcast %reduce_sum3A_58 : i32 to vector<8xi32>
    %swap3A_354 = arith.constant 0 : index
    %swap3A_355 = vector.load %arg5[%swap3A_354] : memref<8xi32, #tpu.memory_space<vmem>>, vector<8xi32>
    tpu.vector_store %arg5[%swap3A_354], %broadcast_in_dim3A_353 {strides = array<i32>} : memref<8xi32, #tpu.memory_space<vmem>>, vector<8xi32>,
    return
  }
}

module attributes {stable_mosaic.version = 14 : i64} {
  func.func @_mlp_body(%arg0: i32, %arg1: memref<256xi32, #tpu.memory_space<smem>>, %arg2: memref<8xi32, #tpu.memory_space<smem>>, %arg3: memref<256x768xf32, #tpu.memory_space<vmem>>, %arg4: memref<8x768x1024xf32, #tpu.memory_space<hbm>>, %arg5: memref<1x1x1024xf32, #tpu.memory_space<vmem>>, %arg6: memref<8x1024x768xf32, #tpu.memory_space<hbm>>, %arg7: memref<1x1x768xf32, #tpu.memory_space<vmem>>, %arg8: memref<256x768xf32, #tpu.memory_space<vmem>>, %arg9: memref<3x768x1024xf32, #tpu.memory_space<vmem>>, %arg10: memref<3x1024x768xf32, #tpu.memory_space<vmem>>, %arg11: memref<3x!tpu.dma_semaphore, #tpu.memory_space<semaphore_mem>>, %arg12: memref<3x!tpu.dma_semaphore, #tpu.memory_space<semaphore_mem>>) attributes {dimension_semantics = [#tpu.dimension_semantics<arbitrary>], iteration_bounds = array<i64: 15>, scalar_prefetch = 2 : i64, scratch_operands = 4 : i64, tpu.core_type = #tpu.core_type<tc>, window_params = [{transform_indices = @transform_0, window_bounds = array<i64: 256, 768>}, {}, {transform_indices = @transform_2, window_bounds = array<i64: 1, 1, 1024>}, {}, {transform_indices = @transform_4, window_bounds = array<i64: 1, 1, 768>}, {transform_indices = @transform_5, window_bounds = array<i64: 256, 768>}]} {
    %eq3A = arith.constant 0 : i32
    %eq3A_0 = arith.cmpi eq, %arg0, %eq3A : i32
    %convert_element_type3A = arith.extui %eq3A_0 : i1 to i32
    %cond3A = arith.constant 0 : i32
    %cond3A_1 = arith.cmpi ne, %convert_element_type3A, %cond3A : i32
    scf.if %cond3A_1 {
      %min3A = arith.constant 0 : i32
      %min3A_45 = arith.constant 14 : i32
      %min3A_46 = arith.minsi %min3A, %min3A_45 : i32
      %max3A_47 = arith.constant 1 : i32
      %max3A_48 = arith.maxsi %min3A_46, %max3A_47 : i32
      %eq3A_49 = arith.constant 0 : i32
      %eq3A_50 = arith.cmpi eq, %min3A_46, %eq3A_49 : i32
      %get3A_51 = arith.index_cast %max3A_48 : i32 to index
      %get3A_52 = memref.load %arg1[%get3A_51] : memref<256xi32, #tpu.memory_space<smem>>
      %sub3A_53 = arith.constant 1 : i32
      %sub3A_54 = arith.subi %max3A_48, %sub3A_53 : i32
      %get3A_55 = arith.index_cast %sub3A_54 : i32 to index
      %get3A_56 = memref.load %arg1[%get3A_55] : memref<256xi32, #tpu.memory_space<smem>>
      %ne3A_57 = arith.cmpi ne, %get3A_52, %get3A_56 : i32
      %or3A_58 = arith.ori %eq3A_50, %ne3A_57 : i1
      %add3A_59 = arith.constant 1 : i32
      %add3A_60 = arith.addi %min3A_46, %add3A_59 : i32
      %while3A_61 = arith.constant 1 : i32
      %while3A_62 = arith.constant 0 : i32
      %while3A_63 = arith.subi %add3A_60, %while3A_61 : i32
      %while3A_64 = arith.addi %while3A_61, %while3A_63 : i32
      %while3A_65 = arith.constant 1 : i32
      %while3A_66 = arith.divsi %while3A_63, %while3A_65 : i32
      %while3A_67 = arith.muli %while3A_66, %while3A_65 : i32
      %while3A_68 = arith.addi %while3A_61, %while3A_67 : i32
      %while3A_69 = arith.constant 1 : i32
      %while3A_70 = scf.for %while3A_194 = %while3A_61 to %while3A_68 step %while3A_69 iter_args(%while3A_195 = %while3A_62) -> (i32)  : i32 {
        %get3A_196 = arith.index_cast %while3A_194 : i32 to index
        %get3A_197 = memref.load %arg1[%get3A_196] : memref<256xi32, #tpu.memory_space<smem>>
        %sub3A_198 = arith.constant 1 : i32
        %sub3A_199 = arith.subi %while3A_194, %sub3A_198 : i32
        %get3A_200 = arith.index_cast %sub3A_199 : i32 to index
        %get3A_201 = memref.load %arg1[%get3A_200] : memref<256xi32, #tpu.memory_space<smem>>
        %ne3A_202 = arith.cmpi ne, %get3A_197, %get3A_201 : i32
        %jit3A_203 = arith.constant 1 : i32
        %jit3A_204 = arith.constant 0 : i32
        %select_n3A_205 = arith.select %ne3A_202, %jit3A_203, %jit3A_204 : i32
        %add3A_206 = arith.addi %while3A_195, %select_n3A_205 : i32
        scf.yield %add3A_206 : i32
      }
      %while3A_71 = arith.constant 1 : i32
      %while3A_72 = scf.for %while3A_194 = %while3A_68 to %while3A_64 step %while3A_71 iter_args(%while3A_195 = %while3A_70) -> (i32)  : i32 {
        %get3A_196 = arith.index_cast %while3A_194 : i32 to index
        %get3A_197 = memref.load %arg1[%get3A_196] : memref<256xi32, #tpu.memory_space<smem>>
        %sub3A_198 = arith.constant 1 : i32
        %sub3A_199 = arith.subi %while3A_194, %sub3A_198 : i32
        %get3A_200 = arith.index_cast %sub3A_199 : i32 to index
        %get3A_201 = memref.load %arg1[%get3A_200] : memref<256xi32, #tpu.memory_space<smem>>
        %ne3A_202 = arith.cmpi ne, %get3A_197, %get3A_201 : i32
        %jit3A_203 = arith.constant 1 : i32
        %jit3A_204 = arith.constant 0 : i32
        %select_n3A_205 = arith.select %ne3A_202, %jit3A_203, %jit3A_204 : i32
        %add3A_206 = arith.addi %while3A_195, %select_n3A_205 : i32
        scf.yield %add3A_206 : i32
      }
      %jit3A_73 = arith.constant 3 : i32
      %eq3A_74 = arith.constant 0 : i32
      %eq3A_75 = arith.cmpi eq, %jit3A_73, %eq3A_74 : i32
      %jit3A_76 = arith.constant 1 : i32
      %select_n3A_77 = arith.select %eq3A_75, %jit3A_76, %jit3A_73 : i32
      %rem3A_78 = arith.remsi %while3A_72, %select_n3A_77 : i32
      %ne3A_79 = arith.constant 0 : i32
      %ne3A_80 = arith.cmpi ne, %rem3A_78, %ne3A_79 : i32
      %lt3A_81 = arith.constant 0 : i32
      %lt3A_82 = arith.cmpi slt, %rem3A_78, %lt3A_81 : i32
      %lt3A_83 = arith.constant 0 : i32
      %lt3A_84 = arith.cmpi slt, %select_n3A_77, %lt3A_83 : i32
      %ne3A_85 = arith.xori %lt3A_82, %lt3A_84 : i1
      %and3A_86 = arith.andi %ne3A_85, %ne3A_80 : i1
      %add3A_87 = arith.addi %rem3A_78, %select_n3A_77 : i32
      %select_n3A_88 = arith.select %and3A_86, %add3A_87, %rem3A_78 : i32
      %and3A_89 = arith.constant true
      %and3A_90 = arith.andi %and3A_89, %or3A_58 : i1
      %convert_element_type3A_91 = arith.extui %and3A_90 : i1 to i32
      %cond3A_92 = arith.constant 0 : i32
      %cond3A_93 = arith.cmpi ne, %convert_element_type3A_91, %cond3A_92 : i32
      scf.if %cond3A_93 {
        %get3A_194 = arith.index_cast %min3A_46 : i32 to index
        %get3A_195 = memref.load %arg1[%get3A_194] : memref<256xi32, #tpu.memory_space<smem>>
        %dma_start3A = tpu.memref_slice %arg11[%select_n3A_88] : memref<3x!tpu.dma_semaphore, #tpu.memory_space<semaphore_mem>> -> memref<1x!tpu.dma_semaphore, #tpu.memory_space<semaphore_mem>>
        %dma_start3A_196 = tpu.memref_squeeze %dma_start3A : memref<1x!tpu.dma_semaphore, #tpu.memory_space<semaphore_mem>> -> memref<!tpu.dma_semaphore, #tpu.memory_space<semaphore_mem>>
        %dma_start3A_197 = arith.constant 0 : i32
        %dma_start3A_198 = arith.constant 0 : i32
        %dma_start3A_199 = tpu.memref_slice %arg9[%select_n3A_88, %dma_start3A_197, %dma_start3A_198] : memref<3x768x1024xf32, #tpu.memory_space<vmem>> -> memref<1x768x1024xf32, #tpu.memory_space<vmem>>
        %dma_start3A_200 = tpu.memref_squeeze %dma_start3A_199 : memref<1x768x1024xf32, #tpu.memory_space<vmem>> -> memref<768x1024xf32, #tpu.memory_space<vmem>>
        %dma_start3A_201 = arith.constant 0 : i32
        %dma_start3A_202 = arith.constant 0 : i32
        %dma_start3A_203 = tpu.memref_slice %arg4[%get3A_195, %dma_start3A_201, %dma_start3A_202] : memref<8x768x1024xf32, #tpu.memory_space<hbm>> -> memref<1x768x1024xf32, #tpu.memory_space<hbm>>
        %dma_start3A_204 = tpu.memref_squeeze %dma_start3A_203 : memref<1x768x1024xf32, #tpu.memory_space<hbm>> -> memref<768x1024xf32, #tpu.memory_space<hbm>>
        tpu.enqueue_dma source(%dma_start3A_204 : memref<768x1024xf32, #tpu.memory_space<hbm>>) target(%dma_start3A_200 : memref<768x1024xf32, #tpu.memory_space<vmem>>) target_semaphore(%dma_start3A_196 : memref<!tpu.dma_semaphore, #tpu.memory_space<semaphore_mem>>)
        %dma_start3A_205 = tpu.memref_slice %arg12[%select_n3A_88] : memref<3x!tpu.dma_semaphore, #tpu.memory_space<semaphore_mem>> -> memref<1x!tpu.dma_semaphore, #tpu.memory_space<semaphore_mem>>
        %dma_start3A_206 = tpu.memref_squeeze %dma_start3A_205 : memref<1x!tpu.dma_semaphore, #tpu.memory_space<semaphore_mem>> -> memref<!tpu.dma_semaphore, #tpu.memory_space<semaphore_mem>>
        %dma_start3A_207 = arith.constant 0 : i32
        %dma_start3A_208 = arith.constant 0 : i32
        %dma_start3A_209 = tpu.memref_slice %arg10[%select_n3A_88, %dma_start3A_207, %dma_start3A_208] : memref<3x1024x768xf32, #tpu.memory_space<vmem>> -> memref<1x1024x768xf32, #tpu.memory_space<vmem>>
        %dma_start3A_210 = tpu.memref_squeeze %dma_start3A_209 : memref<1x1024x768xf32, #tpu.memory_space<vmem>> -> memref<1024x768xf32, #tpu.memory_space<vmem>>
        %dma_start3A_211 = arith.constant 0 : i32
        %dma_start3A_212 = arith.constant 0 : i32
        %dma_start3A_213 = tpu.memref_slice %arg6[%get3A_195, %dma_start3A_211, %dma_start3A_212] : memref<8x1024x768xf32, #tpu.memory_space<hbm>> -> memref<1x1024x768xf32, #tpu.memory_space<hbm>>
        %dma_start3A_214 = tpu.memref_squeeze %dma_start3A_213 : memref<1x1024x768xf32, #tpu.memory_space<hbm>> -> memref<1024x768xf32, #tpu.memory_space<hbm>>
        tpu.enqueue_dma source(%dma_start3A_214 : memref<1024x768xf32, #tpu.memory_space<hbm>>) target(%dma_start3A_210 : memref<1024x768xf32, #tpu.memory_space<vmem>>) target_semaphore(%dma_start3A_206 : memref<!tpu.dma_semaphore, #tpu.memory_space<semaphore_mem>>)
      } else {
      }
      %min3A_94 = arith.constant 1 : i32
      %min3A_95 = arith.constant 14 : i32
      %min3A_96 = arith.minsi %min3A_94, %min3A_95 : i32
      %max3A_97 = arith.constant 1 : i32
      %max3A_98 = arith.maxsi %min3A_96, %max3A_97 : i32
      %eq3A_99 = arith.constant 0 : i32
      %eq3A_100 = arith.cmpi eq, %min3A_96, %eq3A_99 : i32
      %get3A_101 = arith.index_cast %max3A_98 : i32 to index
      %get3A_102 = memref.load %arg1[%get3A_101] : memref<256xi32, #tpu.memory_space<smem>>
      %sub3A_103 = arith.constant 1 : i32
      %sub3A_104 = arith.subi %max3A_98, %sub3A_103 : i32
      %get3A_105 = arith.index_cast %sub3A_104 : i32 to index
      %get3A_106 = memref.load %arg1[%get3A_105] : memref<256xi32, #tpu.memory_space<smem>>
      %ne3A_107 = arith.cmpi ne, %get3A_102, %get3A_106 : i32
      %or3A_108 = arith.ori %eq3A_100, %ne3A_107 : i1
      %add3A_109 = arith.constant 1 : i32
      %add3A_110 = arith.addi %min3A_96, %add3A_109 : i32
      %while3A_111 = arith.constant 1 : i32
      %while3A_112 = arith.constant 0 : i32
      %while3A_113 = arith.subi %add3A_110, %while3A_111 : i32
      %while3A_114 = arith.addi %while3A_111, %while3A_113 : i32
      %while3A_115 = arith.constant 1 : i32
      %while3A_116 = arith.divsi %while3A_113, %while3A_115 : i32
      %while3A_117 = arith.muli %while3A_116, %while3A_115 : i32
      %while3A_118 = arith.addi %while3A_111, %while3A_117 : i32
      %while3A_119 = arith.constant 1 : i32
      %while3A_120 = scf.for %while3A_194 = %while3A_111 to %while3A_118 step %while3A_119 iter_args(%while3A_195 = %while3A_112) -> (i32)  : i32 {
        %get3A_196 = arith.index_cast %while3A_194 : i32 to index
        %get3A_197 = memref.load %arg1[%get3A_196] : memref<256xi32, #tpu.memory_space<smem>>
        %sub3A_198 = arith.constant 1 : i32
        %sub3A_199 = arith.subi %while3A_194, %sub3A_198 : i32
        %get3A_200 = arith.index_cast %sub3A_199 : i32 to index
        %get3A_201 = memref.load %arg1[%get3A_200] : memref<256xi32, #tpu.memory_space<smem>>
        %ne3A_202 = arith.cmpi ne, %get3A_197, %get3A_201 : i32
        %jit3A_203 = arith.constant 1 : i32
        %jit3A_204 = arith.constant 0 : i32
        %select_n3A_205 = arith.select %ne3A_202, %jit3A_203, %jit3A_204 : i32
        %add3A_206 = arith.addi %while3A_195, %select_n3A_205 : i32
        scf.yield %add3A_206 : i32
      }
      %while3A_121 = arith.constant 1 : i32
      %while3A_122 = scf.for %while3A_194 = %while3A_118 to %while3A_114 step %while3A_121 iter_args(%while3A_195 = %while3A_120) -> (i32)  : i32 {
        %get3A_196 = arith.index_cast %while3A_194 : i32 to index
        %get3A_197 = memref.load %arg1[%get3A_196] : memref<256xi32, #tpu.memory_space<smem>>
        %sub3A_198 = arith.constant 1 : i32
        %sub3A_199 = arith.subi %while3A_194, %sub3A_198 : i32
        %get3A_200 = arith.index_cast %sub3A_199 : i32 to index
        %get3A_201 = memref.load %arg1[%get3A_200] : memref<256xi32, #tpu.memory_space<smem>>
        %ne3A_202 = arith.cmpi ne, %get3A_197, %get3A_201 : i32
        %jit3A_203 = arith.constant 1 : i32
        %jit3A_204 = arith.constant 0 : i32
        %select_n3A_205 = arith.select %ne3A_202, %jit3A_203, %jit3A_204 : i32
        %add3A_206 = arith.addi %while3A_195, %select_n3A_205 : i32
        scf.yield %add3A_206 : i32
      }
      %jit3A_123 = arith.constant 3 : i32
      %eq3A_124 = arith.constant 0 : i32
      %eq3A_125 = arith.cmpi eq, %jit3A_123, %eq3A_124 : i32
      %jit3A_126 = arith.constant 1 : i32
      %select_n3A_127 = arith.select %eq3A_125, %jit3A_126, %jit3A_123 : i32
      %rem3A_128 = arith.remsi %while3A_122, %select_n3A_127 : i32
      %ne3A_129 = arith.constant 0 : i32
      %ne3A_130 = arith.cmpi ne, %rem3A_128, %ne3A_129 : i32
      %lt3A_131 = arith.constant 0 : i32
      %lt3A_132 = arith.cmpi slt, %rem3A_128, %lt3A_131 : i32
      %lt3A_133 = arith.constant 0 : i32
      %lt3A_134 = arith.cmpi slt, %select_n3A_127, %lt3A_133 : i32
      %ne3A_135 = arith.xori %lt3A_132, %lt3A_134 : i1
      %and3A_136 = arith.andi %ne3A_135, %ne3A_130 : i1
      %add3A_137 = arith.addi %rem3A_128, %select_n3A_127 : i32
      %select_n3A_138 = arith.select %and3A_136, %add3A_137, %rem3A_128 : i32
      %and3A_139 = arith.constant true
      %and3A_140 = arith.andi %and3A_139, %or3A_108 : i1
      %convert_element_type3A_141 = arith.extui %and3A_140 : i1 to i32
      %cond3A_142 = arith.constant 0 : i32
      %cond3A_143 = arith.cmpi ne, %convert_element_type3A_141, %cond3A_142 : i32
      scf.if %cond3A_143 {
        %get3A_194 = arith.index_cast %min3A_96 : i32 to index
        %get3A_195 = memref.load %arg1[%get3A_194] : memref<256xi32, #tpu.memory_space<smem>>
        %dma_start3A = tpu.memref_slice %arg11[%select_n3A_138] : memref<3x!tpu.dma_semaphore, #tpu.memory_space<semaphore_mem>> -> memref<1x!tpu.dma_semaphore, #tpu.memory_space<semaphore_mem>>
        %dma_start3A_196 = tpu.memref_squeeze %dma_start3A : memref<1x!tpu.dma_semaphore, #tpu.memory_space<semaphore_mem>> -> memref<!tpu.dma_semaphore, #tpu.memory_space<semaphore_mem>>
        %dma_start3A_197 = arith.constant 0 : i32
        %dma_start3A_198 = arith.constant 0 : i32
        %dma_start3A_199 = tpu.memref_slice %arg9[%select_n3A_138, %dma_start3A_197, %dma_start3A_198] : memref<3x768x1024xf32, #tpu.memory_space<vmem>> -> memref<1x768x1024xf32, #tpu.memory_space<vmem>>
        %dma_start3A_200 = tpu.memref_squeeze %dma_start3A_199 : memref<1x768x1024xf32, #tpu.memory_space<vmem>> -> memref<768x1024xf32, #tpu.memory_space<vmem>>
        %dma_start3A_201 = arith.constant 0 : i32
        %dma_start3A_202 = arith.constant 0 : i32
        %dma_start3A_203 = tpu.memref_slice %arg4[%get3A_195, %dma_start3A_201, %dma_start3A_202] : memref<8x768x1024xf32, #tpu.memory_space<hbm>> -> memref<1x768x1024xf32, #tpu.memory_space<hbm>>
        %dma_start3A_204 = tpu.memref_squeeze %dma_start3A_203 : memref<1x768x1024xf32, #tpu.memory_space<hbm>> -> memref<768x1024xf32, #tpu.memory_space<hbm>>
        tpu.enqueue_dma source(%dma_start3A_204 : memref<768x1024xf32, #tpu.memory_space<hbm>>) target(%dma_start3A_200 : memref<768x1024xf32, #tpu.memory_space<vmem>>) target_semaphore(%dma_start3A_196 : memref<!tpu.dma_semaphore, #tpu.memory_space<semaphore_mem>>)
        %dma_start3A_205 = tpu.memref_slice %arg12[%select_n3A_138] : memref<3x!tpu.dma_semaphore, #tpu.memory_space<semaphore_mem>> -> memref<1x!tpu.dma_semaphore, #tpu.memory_space<semaphore_mem>>
        %dma_start3A_206 = tpu.memref_squeeze %dma_start3A_205 : memref<1x!tpu.dma_semaphore, #tpu.memory_space<semaphore_mem>> -> memref<!tpu.dma_semaphore, #tpu.memory_space<semaphore_mem>>
        %dma_start3A_207 = arith.constant 0 : i32
        %dma_start3A_208 = arith.constant 0 : i32
        %dma_start3A_209 = tpu.memref_slice %arg10[%select_n3A_138, %dma_start3A_207, %dma_start3A_208] : memref<3x1024x768xf32, #tpu.memory_space<vmem>> -> memref<1x1024x768xf32, #tpu.memory_space<vmem>>
        %dma_start3A_210 = tpu.memref_squeeze %dma_start3A_209 : memref<1x1024x768xf32, #tpu.memory_space<vmem>> -> memref<1024x768xf32, #tpu.memory_space<vmem>>
        %dma_start3A_211 = arith.constant 0 : i32
        %dma_start3A_212 = arith.constant 0 : i32
        %dma_start3A_213 = tpu.memref_slice %arg6[%get3A_195, %dma_start3A_211, %dma_start3A_212] : memref<8x1024x768xf32, #tpu.memory_space<hbm>> -> memref<1x1024x768xf32, #tpu.memory_space<hbm>>
        %dma_start3A_214 = tpu.memref_squeeze %dma_start3A_213 : memref<1x1024x768xf32, #tpu.memory_space<hbm>> -> memref<1024x768xf32, #tpu.memory_space<hbm>>
        tpu.enqueue_dma source(%dma_start3A_214 : memref<1024x768xf32, #tpu.memory_space<hbm>>) target(%dma_start3A_210 : memref<1024x768xf32, #tpu.memory_space<vmem>>) target_semaphore(%dma_start3A_206 : memref<!tpu.dma_semaphore, #tpu.memory_space<semaphore_mem>>)
      } else {
      }
      %min3A_144 = arith.constant 2 : i32
      %min3A_145 = arith.constant 14 : i32
      %min3A_146 = arith.minsi %min3A_144, %min3A_145 : i32
      %max3A_147 = arith.constant 1 : i32
      %max3A_148 = arith.maxsi %min3A_146, %max3A_147 : i32
      %eq3A_149 = arith.constant 0 : i32
      %eq3A_150 = arith.cmpi eq, %min3A_146, %eq3A_149 : i32
      %get3A_151 = arith.index_cast %max3A_148 : i32 to index
      %get3A_152 = memref.load %arg1[%get3A_151] : memref<256xi32, #tpu.memory_space<smem>>
      %sub3A_153 = arith.constant 1 : i32
      %sub3A_154 = arith.subi %max3A_148, %sub3A_153 : i32
      %get3A_155 = arith.index_cast %sub3A_154 : i32 to index
      %get3A_156 = memref.load %arg1[%get3A_155] : memref<256xi32, #tpu.memory_space<smem>>
      %ne3A_157 = arith.cmpi ne, %get3A_152, %get3A_156 : i32
      %or3A_158 = arith.ori %eq3A_150, %ne3A_157 : i1
      %add3A_159 = arith.constant 1 : i32
      %add3A_160 = arith.addi %min3A_146, %add3A_159 : i32
      %while3A_161 = arith.constant 1 : i32
      %while3A_162 = arith.constant 0 : i32
      %while3A_163 = arith.subi %add3A_160, %while3A_161 : i32
      %while3A_164 = arith.addi %while3A_161, %while3A_163 : i32
      %while3A_165 = arith.constant 1 : i32
      %while3A_166 = arith.divsi %while3A_163, %while3A_165 : i32
      %while3A_167 = arith.muli %while3A_166, %while3A_165 : i32
      %while3A_168 = arith.addi %while3A_161, %while3A_167 : i32
      %while3A_169 = arith.constant 1 : i32
      %while3A_170 = scf.for %while3A_194 = %while3A_161 to %while3A_168 step %while3A_169 iter_args(%while3A_195 = %while3A_162) -> (i32)  : i32 {
        %get3A_196 = arith.index_cast %while3A_194 : i32 to index
        %get3A_197 = memref.load %arg1[%get3A_196] : memref<256xi32, #tpu.memory_space<smem>>
        %sub3A_198 = arith.constant 1 : i32
        %sub3A_199 = arith.subi %while3A_194, %sub3A_198 : i32
        %get3A_200 = arith.index_cast %sub3A_199 : i32 to index
        %get3A_201 = memref.load %arg1[%get3A_200] : memref<256xi32, #tpu.memory_space<smem>>
        %ne3A_202 = arith.cmpi ne, %get3A_197, %get3A_201 : i32
        %jit3A_203 = arith.constant 1 : i32
        %jit3A_204 = arith.constant 0 : i32
        %select_n3A_205 = arith.select %ne3A_202, %jit3A_203, %jit3A_204 : i32
        %add3A_206 = arith.addi %while3A_195, %select_n3A_205 : i32
        scf.yield %add3A_206 : i32
      }
      %while3A_171 = arith.constant 1 : i32
      %while3A_172 = scf.for %while3A_194 = %while3A_168 to %while3A_164 step %while3A_171 iter_args(%while3A_195 = %while3A_170) -> (i32)  : i32 {
        %get3A_196 = arith.index_cast %while3A_194 : i32 to index
        %get3A_197 = memref.load %arg1[%get3A_196] : memref<256xi32, #tpu.memory_space<smem>>
        %sub3A_198 = arith.constant 1 : i32
        %sub3A_199 = arith.subi %while3A_194, %sub3A_198 : i32
        %get3A_200 = arith.index_cast %sub3A_199 : i32 to index
        %get3A_201 = memref.load %arg1[%get3A_200] : memref<256xi32, #tpu.memory_space<smem>>
        %ne3A_202 = arith.cmpi ne, %get3A_197, %get3A_201 : i32
        %jit3A_203 = arith.constant 1 : i32
        %jit3A_204 = arith.constant 0 : i32
        %select_n3A_205 = arith.select %ne3A_202, %jit3A_203, %jit3A_204 : i32
        %add3A_206 = arith.addi %while3A_195, %select_n3A_205 : i32
        scf.yield %add3A_206 : i32
      }
      %jit3A_173 = arith.constant 3 : i32
      %eq3A_174 = arith.constant 0 : i32
      %eq3A_175 = arith.cmpi eq, %jit3A_173, %eq3A_174 : i32
      %jit3A_176 = arith.constant 1 : i32
      %select_n3A_177 = arith.select %eq3A_175, %jit3A_176, %jit3A_173 : i32
      %rem3A_178 = arith.remsi %while3A_172, %select_n3A_177 : i32
      %ne3A_179 = arith.constant 0 : i32
      %ne3A_180 = arith.cmpi ne, %rem3A_178, %ne3A_179 : i32
      %lt3A_181 = arith.constant 0 : i32
      %lt3A_182 = arith.cmpi slt, %rem3A_178, %lt3A_181 : i32
      %lt3A_183 = arith.constant 0 : i32
      %lt3A_184 = arith.cmpi slt, %select_n3A_177, %lt3A_183 : i32
      %ne3A_185 = arith.xori %lt3A_182, %lt3A_184 : i1
      %and3A_186 = arith.andi %ne3A_185, %ne3A_180 : i1
      %add3A_187 = arith.addi %rem3A_178, %select_n3A_177 : i32
      %select_n3A_188 = arith.select %and3A_186, %add3A_187, %rem3A_178 : i32
      %and3A_189 = arith.constant true
      %and3A_190 = arith.andi %and3A_189, %or3A_158 : i1
      %convert_element_type3A_191 = arith.extui %and3A_190 : i1 to i32
      %cond3A_192 = arith.constant 0 : i32
      %cond3A_193 = arith.cmpi ne, %convert_element_type3A_191, %cond3A_192 : i32
      scf.if %cond3A_193 {
        %get3A_194 = arith.index_cast %min3A_146 : i32 to index
        %get3A_195 = memref.load %arg1[%get3A_194] : memref<256xi32, #tpu.memory_space<smem>>
        %dma_start3A = tpu.memref_slice %arg11[%select_n3A_188] : memref<3x!tpu.dma_semaphore, #tpu.memory_space<semaphore_mem>> -> memref<1x!tpu.dma_semaphore, #tpu.memory_space<semaphore_mem>>
        %dma_start3A_196 = tpu.memref_squeeze %dma_start3A : memref<1x!tpu.dma_semaphore, #tpu.memory_space<semaphore_mem>> -> memref<!tpu.dma_semaphore, #tpu.memory_space<semaphore_mem>>
        %dma_start3A_197 = arith.constant 0 : i32
        %dma_start3A_198 = arith.constant 0 : i32
        %dma_start3A_199 = tpu.memref_slice %arg9[%select_n3A_188, %dma_start3A_197, %dma_start3A_198] : memref<3x768x1024xf32, #tpu.memory_space<vmem>> -> memref<1x768x1024xf32, #tpu.memory_space<vmem>>
        %dma_start3A_200 = tpu.memref_squeeze %dma_start3A_199 : memref<1x768x1024xf32, #tpu.memory_space<vmem>> -> memref<768x1024xf32, #tpu.memory_space<vmem>>
        %dma_start3A_201 = arith.constant 0 : i32
        %dma_start3A_202 = arith.constant 0 : i32
        %dma_start3A_203 = tpu.memref_slice %arg4[%get3A_195, %dma_start3A_201, %dma_start3A_202] : memref<8x768x1024xf32, #tpu.memory_space<hbm>> -> memref<1x768x1024xf32, #tpu.memory_space<hbm>>
        %dma_start3A_204 = tpu.memref_squeeze %dma_start3A_203 : memref<1x768x1024xf32, #tpu.memory_space<hbm>> -> memref<768x1024xf32, #tpu.memory_space<hbm>>
        tpu.enqueue_dma source(%dma_start3A_204 : memref<768x1024xf32, #tpu.memory_space<hbm>>) target(%dma_start3A_200 : memref<768x1024xf32, #tpu.memory_space<vmem>>) target_semaphore(%dma_start3A_196 : memref<!tpu.dma_semaphore, #tpu.memory_space<semaphore_mem>>)
        %dma_start3A_205 = tpu.memref_slice %arg12[%select_n3A_188] : memref<3x!tpu.dma_semaphore, #tpu.memory_space<semaphore_mem>> -> memref<1x!tpu.dma_semaphore, #tpu.memory_space<semaphore_mem>>
        %dma_start3A_206 = tpu.memref_squeeze %dma_start3A_205 : memref<1x!tpu.dma_semaphore, #tpu.memory_space<semaphore_mem>> -> memref<!tpu.dma_semaphore, #tpu.memory_space<semaphore_mem>>
        %dma_start3A_207 = arith.constant 0 : i32
        %dma_start3A_208 = arith.constant 0 : i32
        %dma_start3A_209 = tpu.memref_slice %arg10[%select_n3A_188, %dma_start3A_207, %dma_start3A_208] : memref<3x1024x768xf32, #tpu.memory_space<vmem>> -> memref<1x1024x768xf32, #tpu.memory_space<vmem>>
        %dma_start3A_210 = tpu.memref_squeeze %dma_start3A_209 : memref<1x1024x768xf32, #tpu.memory_space<vmem>> -> memref<1024x768xf32, #tpu.memory_space<vmem>>
        %dma_start3A_211 = arith.constant 0 : i32
        %dma_start3A_212 = arith.constant 0 : i32
        %dma_start3A_213 = tpu.memref_slice %arg6[%get3A_195, %dma_start3A_211, %dma_start3A_212] : memref<8x1024x768xf32, #tpu.memory_space<hbm>> -> memref<1x1024x768xf32, #tpu.memory_space<hbm>>
        %dma_start3A_214 = tpu.memref_squeeze %dma_start3A_213 : memref<1x1024x768xf32, #tpu.memory_space<hbm>> -> memref<1024x768xf32, #tpu.memory_space<hbm>>
        tpu.enqueue_dma source(%dma_start3A_214 : memref<1024x768xf32, #tpu.memory_space<hbm>>) target(%dma_start3A_210 : memref<1024x768xf32, #tpu.memory_space<vmem>>) target_semaphore(%dma_start3A_206 : memref<!tpu.dma_semaphore, #tpu.memory_space<semaphore_mem>>)
      } else {
      }
    } else {
    }
    %gt3A = arith.constant 0 : i32
    %gt3A_2 = arith.cmpi sgt, %arg0, %gt3A : i32
    %convert_element_type3A_3 = arith.extui %gt3A_2 : i1 to i32
    %cond3A_4 = arith.constant 0 : i32
    %cond3A_5 = arith.cmpi ne, %convert_element_type3A_3, %cond3A_4 : i32
    scf.if %cond3A_5 {
      %add3A_45 = arith.constant 2 : i32
      %add3A_46 = arith.addi %arg0, %add3A_45 : i32
      %min3A = arith.constant 14 : i32
      %min3A_47 = arith.minsi %add3A_46, %min3A : i32
      %max3A_48 = arith.constant 1 : i32
      %max3A_49 = arith.maxsi %min3A_47, %max3A_48 : i32
      %eq3A_50 = arith.constant 0 : i32
      %eq3A_51 = arith.cmpi eq, %min3A_47, %eq3A_50 : i32
      %get3A_52 = arith.index_cast %max3A_49 : i32 to index
      %get3A_53 = memref.load %arg1[%get3A_52] : memref<256xi32, #tpu.memory_space<smem>>
      %sub3A_54 = arith.constant 1 : i32
      %sub3A_55 = arith.subi %max3A_49, %sub3A_54 : i32
      %get3A_56 = arith.index_cast %sub3A_55 : i32 to index
      %get3A_57 = memref.load %arg1[%get3A_56] : memref<256xi32, #tpu.memory_space<smem>>
      %ne3A_58 = arith.cmpi ne, %get3A_53, %get3A_57 : i32
      %or3A_59 = arith.ori %eq3A_51, %ne3A_58 : i1
      %add3A_60 = arith.constant 1 : i32
      %add3A_61 = arith.addi %min3A_47, %add3A_60 : i32
      %while3A_62 = arith.constant 1 : i32
      %while3A_63 = arith.constant 0 : i32
      %while3A_64 = arith.subi %add3A_61, %while3A_62 : i32
      %while3A_65 = arith.addi %while3A_62, %while3A_64 : i32
      %while3A_66 = arith.constant 1 : i32
      %while3A_67 = arith.divsi %while3A_64, %while3A_66 : i32
      %while3A_68 = arith.muli %while3A_67, %while3A_66 : i32
      %while3A_69 = arith.addi %while3A_62, %while3A_68 : i32
      %while3A_70 = arith.constant 1 : i32
      %while3A_71 = scf.for %while3A_96 = %while3A_62 to %while3A_69 step %while3A_70 iter_args(%while3A_97 = %while3A_63) -> (i32)  : i32 {
        %get3A_98 = arith.index_cast %while3A_96 : i32 to index
        %get3A_99 = memref.load %arg1[%get3A_98] : memref<256xi32, #tpu.memory_space<smem>>
        %sub3A_100 = arith.constant 1 : i32
        %sub3A_101 = arith.subi %while3A_96, %sub3A_100 : i32
        %get3A_102 = arith.index_cast %sub3A_101 : i32 to index
        %get3A_103 = memref.load %arg1[%get3A_102] : memref<256xi32, #tpu.memory_space<smem>>
        %ne3A_104 = arith.cmpi ne, %get3A_99, %get3A_103 : i32
        %jit3A_105 = arith.constant 1 : i32
        %jit3A_106 = arith.constant 0 : i32
        %select_n3A_107 = arith.select %ne3A_104, %jit3A_105, %jit3A_106 : i32
        %add3A_108 = arith.addi %while3A_97, %select_n3A_107 : i32
        scf.yield %add3A_108 : i32
      }
      %while3A_72 = arith.constant 1 : i32
      %while3A_73 = scf.for %while3A_96 = %while3A_69 to %while3A_65 step %while3A_72 iter_args(%while3A_97 = %while3A_71) -> (i32)  : i32 {
        %get3A_98 = arith.index_cast %while3A_96 : i32 to index
        %get3A_99 = memref.load %arg1[%get3A_98] : memref<256xi32, #tpu.memory_space<smem>>
        %sub3A_100 = arith.constant 1 : i32
        %sub3A_101 = arith.subi %while3A_96, %sub3A_100 : i32
        %get3A_102 = arith.index_cast %sub3A_101 : i32 to index
        %get3A_103 = memref.load %arg1[%get3A_102] : memref<256xi32, #tpu.memory_space<smem>>
        %ne3A_104 = arith.cmpi ne, %get3A_99, %get3A_103 : i32
        %jit3A_105 = arith.constant 1 : i32
        %jit3A_106 = arith.constant 0 : i32
        %select_n3A_107 = arith.select %ne3A_104, %jit3A_105, %jit3A_106 : i32
        %add3A_108 = arith.addi %while3A_97, %select_n3A_107 : i32
        scf.yield %add3A_108 : i32
      }
      %jit3A_74 = arith.constant 3 : i32
      %eq3A_75 = arith.constant 0 : i32
      %eq3A_76 = arith.cmpi eq, %jit3A_74, %eq3A_75 : i32
      %jit3A_77 = arith.constant 1 : i32
      %select_n3A_78 = arith.select %eq3A_76, %jit3A_77, %jit3A_74 : i32
      %rem3A_79 = arith.remsi %while3A_73, %select_n3A_78 : i32
      %ne3A_80 = arith.constant 0 : i32
      %ne3A_81 = arith.cmpi ne, %rem3A_79, %ne3A_80 : i32
      %lt3A_82 = arith.constant 0 : i32
      %lt3A_83 = arith.cmpi slt, %rem3A_79, %lt3A_82 : i32
      %lt3A_84 = arith.constant 0 : i32
      %lt3A_85 = arith.cmpi slt, %select_n3A_78, %lt3A_84 : i32
      %ne3A_86 = arith.xori %lt3A_83, %lt3A_85 : i1
      %and3A_87 = arith.andi %ne3A_86, %ne3A_81 : i1
      %add3A_88 = arith.addi %rem3A_79, %select_n3A_78 : i32
      %select_n3A_89 = arith.select %and3A_87, %add3A_88, %rem3A_79 : i32
      %lt3A_90 = arith.constant 15 : i32
      %lt3A_91 = arith.cmpi slt, %add3A_46, %lt3A_90 : i32
      %and3A_92 = arith.andi %lt3A_91, %or3A_59 : i1
      %convert_element_type3A_93 = arith.extui %and3A_92 : i1 to i32
      %cond3A_94 = arith.constant 0 : i32
      %cond3A_95 = arith.cmpi ne, %convert_element_type3A_93, %cond3A_94 : i32
      scf.if %cond3A_95 {
        %get3A_96 = arith.index_cast %min3A_47 : i32 to index
        %get3A_97 = memref.load %arg1[%get3A_96] : memref<256xi32, #tpu.memory_space<smem>>
        %dma_start3A = tpu.memref_slice %arg11[%select_n3A_89] : memref<3x!tpu.dma_semaphore, #tpu.memory_space<semaphore_mem>> -> memref<1x!tpu.dma_semaphore, #tpu.memory_space<semaphore_mem>>
        %dma_start3A_98 = tpu.memref_squeeze %dma_start3A : memref<1x!tpu.dma_semaphore, #tpu.memory_space<semaphore_mem>> -> memref<!tpu.dma_semaphore, #tpu.memory_space<semaphore_mem>>
        %dma_start3A_99 = arith.constant 0 : i32
        %dma_start3A_100 = arith.constant 0 : i32
        %dma_start3A_101 = tpu.memref_slice %arg9[%select_n3A_89, %dma_start3A_99, %dma_start3A_100] : memref<3x768x1024xf32, #tpu.memory_space<vmem>> -> memref<1x768x1024xf32, #tpu.memory_space<vmem>>
        %dma_start3A_102 = tpu.memref_squeeze %dma_start3A_101 : memref<1x768x1024xf32, #tpu.memory_space<vmem>> -> memref<768x1024xf32, #tpu.memory_space<vmem>>
        %dma_start3A_103 = arith.constant 0 : i32
        %dma_start3A_104 = arith.constant 0 : i32
        %dma_start3A_105 = tpu.memref_slice %arg4[%get3A_97, %dma_start3A_103, %dma_start3A_104] : memref<8x768x1024xf32, #tpu.memory_space<hbm>> -> memref<1x768x1024xf32, #tpu.memory_space<hbm>>
        %dma_start3A_106 = tpu.memref_squeeze %dma_start3A_105 : memref<1x768x1024xf32, #tpu.memory_space<hbm>> -> memref<768x1024xf32, #tpu.memory_space<hbm>>
        tpu.enqueue_dma source(%dma_start3A_106 : memref<768x1024xf32, #tpu.memory_space<hbm>>) target(%dma_start3A_102 : memref<768x1024xf32, #tpu.memory_space<vmem>>) target_semaphore(%dma_start3A_98 : memref<!tpu.dma_semaphore, #tpu.memory_space<semaphore_mem>>)
        %dma_start3A_107 = tpu.memref_slice %arg12[%select_n3A_89] : memref<3x!tpu.dma_semaphore, #tpu.memory_space<semaphore_mem>> -> memref<1x!tpu.dma_semaphore, #tpu.memory_space<semaphore_mem>>
        %dma_start3A_108 = tpu.memref_squeeze %dma_start3A_107 : memref<1x!tpu.dma_semaphore, #tpu.memory_space<semaphore_mem>> -> memref<!tpu.dma_semaphore, #tpu.memory_space<semaphore_mem>>
        %dma_start3A_109 = arith.constant 0 : i32
        %dma_start3A_110 = arith.constant 0 : i32
        %dma_start3A_111 = tpu.memref_slice %arg10[%select_n3A_89, %dma_start3A_109, %dma_start3A_110] : memref<3x1024x768xf32, #tpu.memory_space<vmem>> -> memref<1x1024x768xf32, #tpu.memory_space<vmem>>
        %dma_start3A_112 = tpu.memref_squeeze %dma_start3A_111 : memref<1x1024x768xf32, #tpu.memory_space<vmem>> -> memref<1024x768xf32, #tpu.memory_space<vmem>>
        %dma_start3A_113 = arith.constant 0 : i32
        %dma_start3A_114 = arith.constant 0 : i32
        %dma_start3A_115 = tpu.memref_slice %arg6[%get3A_97, %dma_start3A_113, %dma_start3A_114] : memref<8x1024x768xf32, #tpu.memory_space<hbm>> -> memref<1x1024x768xf32, #tpu.memory_space<hbm>>
        %dma_start3A_116 = tpu.memref_squeeze %dma_start3A_115 : memref<1x1024x768xf32, #tpu.memory_space<hbm>> -> memref<1024x768xf32, #tpu.memory_space<hbm>>
        tpu.enqueue_dma source(%dma_start3A_116 : memref<1024x768xf32, #tpu.memory_space<hbm>>) target(%dma_start3A_112 : memref<1024x768xf32, #tpu.memory_space<vmem>>) target_semaphore(%dma_start3A_108 : memref<!tpu.dma_semaphore, #tpu.memory_space<semaphore_mem>>)
      } else {
      }
    } else {
    }
    %max3A = arith.constant 1 : i32
    %max3A_6 = arith.maxsi %arg0, %max3A : i32
    %eq3A_7 = arith.constant 0 : i32
    %eq3A_8 = arith.cmpi eq, %arg0, %eq3A_7 : i32
    %get3A = arith.index_cast %max3A_6 : i32 to index
    %get3A_9 = memref.load %arg1[%get3A] : memref<256xi32, #tpu.memory_space<smem>>
    %sub3A = arith.constant 1 : i32
    %sub3A_10 = arith.subi %max3A_6, %sub3A : i32
    %get3A_11 = arith.index_cast %sub3A_10 : i32 to index
    %get3A_12 = memref.load %arg1[%get3A_11] : memref<256xi32, #tpu.memory_space<smem>>
    %ne3A = arith.cmpi ne, %get3A_9, %get3A_12 : i32
    %or3A = arith.ori %eq3A_8, %ne3A : i1
    %add3A = arith.constant 1 : i32
    %add3A_13 = arith.addi %arg0, %add3A : i32
    %while3A = arith.constant 1 : i32
    %while3A_14 = arith.constant 0 : i32
    %while3A_15 = arith.subi %add3A_13, %while3A : i32
    %while3A_16 = arith.addi %while3A, %while3A_15 : i32
    %while3A_17 = arith.constant 1 : i32
    %while3A_18 = arith.divsi %while3A_15, %while3A_17 : i32
    %while3A_19 = arith.muli %while3A_18, %while3A_17 : i32
    %while3A_20 = arith.addi %while3A, %while3A_19 : i32
    %while3A_21 = arith.constant 1 : i32
    %while3A_22 = scf.for %while3A_45 = %while3A to %while3A_20 step %while3A_21 iter_args(%while3A_46 = %while3A_14) -> (i32)  : i32 {
      %get3A_47 = arith.index_cast %while3A_45 : i32 to index
      %get3A_48 = memref.load %arg1[%get3A_47] : memref<256xi32, #tpu.memory_space<smem>>
      %sub3A_49 = arith.constant 1 : i32
      %sub3A_50 = arith.subi %while3A_45, %sub3A_49 : i32
      %get3A_51 = arith.index_cast %sub3A_50 : i32 to index
      %get3A_52 = memref.load %arg1[%get3A_51] : memref<256xi32, #tpu.memory_space<smem>>
      %ne3A_53 = arith.cmpi ne, %get3A_48, %get3A_52 : i32
      %jit3A_54 = arith.constant 1 : i32
      %jit3A_55 = arith.constant 0 : i32
      %select_n3A_56 = arith.select %ne3A_53, %jit3A_54, %jit3A_55 : i32
      %add3A_57 = arith.addi %while3A_46, %select_n3A_56 : i32
      scf.yield %add3A_57 : i32
    }
    %while3A_23 = arith.constant 1 : i32
    %while3A_24 = scf.for %while3A_45 = %while3A_20 to %while3A_16 step %while3A_23 iter_args(%while3A_46 = %while3A_22) -> (i32)  : i32 {
      %get3A_47 = arith.index_cast %while3A_45 : i32 to index
      %get3A_48 = memref.load %arg1[%get3A_47] : memref<256xi32, #tpu.memory_space<smem>>
      %sub3A_49 = arith.constant 1 : i32
      %sub3A_50 = arith.subi %while3A_45, %sub3A_49 : i32
      %get3A_51 = arith.index_cast %sub3A_50 : i32 to index
      %get3A_52 = memref.load %arg1[%get3A_51] : memref<256xi32, #tpu.memory_space<smem>>
      %ne3A_53 = arith.cmpi ne, %get3A_48, %get3A_52 : i32
      %jit3A_54 = arith.constant 1 : i32
      %jit3A_55 = arith.constant 0 : i32
      %select_n3A_56 = arith.select %ne3A_53, %jit3A_54, %jit3A_55 : i32
      %add3A_57 = arith.addi %while3A_46, %select_n3A_56 : i32
      scf.yield %add3A_57 : i32
    }
    %jit3A = arith.constant 3 : i32
    %eq3A_25 = arith.constant 0 : i32
    %eq3A_26 = arith.cmpi eq, %jit3A, %eq3A_25 : i32
    %jit3A_27 = arith.constant 1 : i32
    %select_n3A = arith.select %eq3A_26, %jit3A_27, %jit3A : i32
    %rem3A = arith.remsi %while3A_24, %select_n3A : i32
    %ne3A_28 = arith.constant 0 : i32
    %ne3A_29 = arith.cmpi ne, %rem3A, %ne3A_28 : i32
    %lt3A = arith.constant 0 : i32
    %lt3A_30 = arith.cmpi slt, %rem3A, %lt3A : i32
    %lt3A_31 = arith.constant 0 : i32
    %lt3A_32 = arith.cmpi slt, %select_n3A, %lt3A_31 : i32
    %ne3A_33 = arith.xori %lt3A_30, %lt3A_32 : i1
    %and3A = arith.andi %ne3A_33, %ne3A_29 : i1
    %add3A_34 = arith.addi %rem3A, %select_n3A : i32
    %select_n3A_35 = arith.select %and3A, %add3A_34, %rem3A : i32
    %convert_element_type3A_36 = arith.extui %or3A : i1 to i32
    %cond3A_37 = arith.constant 0 : i32
    %cond3A_38 = arith.cmpi ne, %convert_element_type3A_36, %cond3A_37 : i32
    scf.if %cond3A_38 {
      %get3A_45 = arith.index_cast %arg0 : i32 to index
      %get3A_46 = memref.load %arg1[%get3A_45] : memref<256xi32, #tpu.memory_space<smem>>
      %dma_wait3A = tpu.memref_slice %arg11[%select_n3A_35] : memref<3x!tpu.dma_semaphore, #tpu.memory_space<semaphore_mem>> -> memref<1x!tpu.dma_semaphore, #tpu.memory_space<semaphore_mem>>
      %dma_wait3A_47 = tpu.memref_squeeze %dma_wait3A : memref<1x!tpu.dma_semaphore, #tpu.memory_space<semaphore_mem>> -> memref<!tpu.dma_semaphore, #tpu.memory_space<semaphore_mem>>
      %dma_wait3A_48 = arith.constant 0 : i32
      %dma_wait3A_49 = arith.constant 0 : i32
      %dma_wait3A_50 = tpu.memref_slice %arg9[%select_n3A_35, %dma_wait3A_48, %dma_wait3A_49] : memref<3x768x1024xf32, #tpu.memory_space<vmem>> -> memref<1x768x1024xf32, #tpu.memory_space<vmem>>
      %dma_wait3A_51 = tpu.memref_squeeze %dma_wait3A_50 : memref<1x768x1024xf32, #tpu.memory_space<vmem>> -> memref<768x1024xf32, #tpu.memory_space<vmem>>
      %dma_wait3A_52 = arith.constant 0 : i32
      %dma_wait3A_53 = arith.constant 0 : i32
      %dma_wait3A_54 = tpu.memref_slice %arg4[%get3A_46, %dma_wait3A_52, %dma_wait3A_53] : memref<8x768x1024xf32, #tpu.memory_space<hbm>> -> memref<1x768x1024xf32, #tpu.memory_space<hbm>>
      %dma_wait3A_55 = tpu.memref_squeeze %dma_wait3A_54 : memref<1x768x1024xf32, #tpu.memory_space<hbm>> -> memref<768x1024xf32, #tpu.memory_space<hbm>>
      tpu.wait_dma2 semaphore(%dma_wait3A_47 : memref<!tpu.dma_semaphore, #tpu.memory_space<semaphore_mem>>) src(%dma_wait3A_55 : memref<768x1024xf32, #tpu.memory_space<hbm>>) dst(%dma_wait3A_51 : memref<768x1024xf32, #tpu.memory_space<vmem>>)
      %dma_wait3A_56 = tpu.memref_slice %arg12[%select_n3A_35] : memref<3x!tpu.dma_semaphore, #tpu.memory_space<semaphore_mem>> -> memref<1x!tpu.dma_semaphore, #tpu.memory_space<semaphore_mem>>
      %dma_wait3A_57 = tpu.memref_squeeze %dma_wait3A_56 : memref<1x!tpu.dma_semaphore, #tpu.memory_space<semaphore_mem>> -> memref<!tpu.dma_semaphore, #tpu.memory_space<semaphore_mem>>
      %dma_wait3A_58 = arith.constant 0 : i32
      %dma_wait3A_59 = arith.constant 0 : i32
      %dma_wait3A_60 = tpu.memref_slice %arg10[%select_n3A_35, %dma_wait3A_58, %dma_wait3A_59] : memref<3x1024x768xf32, #tpu.memory_space<vmem>> -> memref<1x1024x768xf32, #tpu.memory_space<vmem>>
      %dma_wait3A_61 = tpu.memref_squeeze %dma_wait3A_60 : memref<1x1024x768xf32, #tpu.memory_space<vmem>> -> memref<1024x768xf32, #tpu.memory_space<vmem>>
      %dma_wait3A_62 = arith.constant 0 : i32
      %dma_wait3A_63 = arith.constant 0 : i32
      %dma_wait3A_64 = tpu.memref_slice %arg6[%get3A_46, %dma_wait3A_62, %dma_wait3A_63] : memref<8x1024x768xf32, #tpu.memory_space<hbm>> -> memref<1x1024x768xf32, #tpu.memory_space<hbm>>
      %dma_wait3A_65 = tpu.memref_squeeze %dma_wait3A_64 : memref<1x1024x768xf32, #tpu.memory_space<hbm>> -> memref<1024x768xf32, #tpu.memory_space<hbm>>
      tpu.wait_dma2 semaphore(%dma_wait3A_57 : memref<!tpu.dma_semaphore, #tpu.memory_space<semaphore_mem>>) src(%dma_wait3A_65 : memref<1024x768xf32, #tpu.memory_space<hbm>>) dst(%dma_wait3A_61 : memref<1024x768xf32, #tpu.memory_space<vmem>>)
    } else {
    }
    %get3A_39 = arith.constant 0 : index
    %get3A_40 = memref.load %arg2[%get3A_39] : memref<8xi32, #tpu.memory_space<smem>>
    %lt3A_41 = arith.cmpi slt, %arg0, %get3A_40 : i32
    %convert_element_type3A_42 = arith.extui %lt3A_41 : i1 to i32
    %cond3A_43 = arith.constant 0 : i32
    %cond3A_44 = arith.cmpi ne, %convert_element_type3A_42, %cond3A_43 : i32
    scf.if %cond3A_44 {
      %get3A_45 = arith.constant 0 : index
      %get3A_46 = arith.constant 0 : index
      %get3A_47 = vector.load %arg3[%get3A_45, %get3A_46] : memref<256x768xf32, #tpu.memory_space<vmem>>, vector<256x768xf32>
      %get3A_48 = arith.index_cast %select_n3A_35 : i32 to index
      %get3A_49 = arith.constant 0 : index
      %get3A_50 = arith.constant 0 : index
      %get3A_51 = vector.load %arg9[%get3A_48, %get3A_49, %get3A_50] : memref<3x768x1024xf32, #tpu.memory_space<vmem>>, vector<1x768x1024xf32>
      %get3A_52 = vector.shape_cast %get3A_51 : vector<1x768x1024xf32> to vector<768x1024xf32>
      %dot_general3A = arith.constant dense<0.000000e+00> : vector<256x1024xf32>
      %dot_general3A_53 = tpu.matmul %get3A_47, %get3A_52, %dot_general3A {dimension_numbers = #tpu.dot_dimension_numbers<[1], [0], [0], [1], [0, 0, 1, 1], [], []>, transpose_lhs_hint = false} : vector<256x768xf32>, vector<768x1024xf32>, vector<256x1024xf32> -> vector<256x1024xf32>
      %get3A_54 = arith.constant 0 : index
      %get3A_55 = arith.constant 0 : index
      %get3A_56 = arith.constant 0 : index
      %get3A_57 = vector.load %arg5[%get3A_54, %get3A_55, %get3A_56] : memref<1x1x1024xf32, #tpu.memory_space<vmem>>, vector<1x1x1024xf32>
      %get3A_58 = vector.shape_cast %get3A_57 : vector<1x1x1024xf32> to vector<1x1024xf32>
      %add3A_59 = vector.broadcast %get3A_58 : vector<1x1024xf32> to vector<256x1024xf32>
      %add3A_60 = arith.addf %dot_general3A_53, %add3A_59 : vector<256x1024xf32>
      %mul3A = arith.constant 5.000000e-01 : f32
      %mul3A_61 = vector.broadcast %mul3A : f32 to vector<256x1024xf32>
      %mul3A_62 = arith.mulf %mul3A_61, %add3A_60 : vector<256x1024xf32>
      %mul3A_63 = arith.constant 0.707106769 : f32
      %mul3A_64 = vector.broadcast %mul3A_63 : f32 to vector<256x1024xf32>
      %mul3A_65 = arith.mulf %add3A_60, %mul3A_64 : vector<256x1024xf32>
      %erf3A = math.erf %mul3A_65 : vector<256x1024xf32>
      %add3A_66 = arith.constant 1.000000e+00 : f32
      %add3A_67 = vector.broadcast %add3A_66 : f32 to vector<256x1024xf32>
      %add3A_68 = arith.addf %add3A_67, %erf3A : vector<256x1024xf32>
      %mul3A_69 = arith.mulf %mul3A_62, %add3A_68 : vector<256x1024xf32>
      %get3A_70 = arith.index_cast %select_n3A_35 : i32 to index
      %get3A_71 = arith.constant 0 : index
      %get3A_72 = arith.constant 0 : index
      %get3A_73 = vector.load %arg10[%get3A_70, %get3A_71, %get3A_72] : memref<3x1024x768xf32, #tpu.memory_space<vmem>>, vector<1x1024x768xf32>
      %get3A_74 = vector.shape_cast %get3A_73 : vector<1x1024x768xf32> to vector<1024x768xf32>
      %dot_general3A_75 = arith.constant dense<0.000000e+00> : vector<256x768xf32>
      %dot_general3A_76 = tpu.matmul %mul3A_69, %get3A_74, %dot_general3A_75 {dimension_numbers = #tpu.dot_dimension_numbers<[1], [0], [0], [1], [0, 0, 1, 1], [], []>, transpose_lhs_hint = false} : vector<256x1024xf32>, vector<1024x768xf32>, vector<256x768xf32> -> vector<256x768xf32>
      %get3A_77 = arith.constant 0 : index
      %get3A_78 = arith.constant 0 : index
      %get3A_79 = arith.constant 0 : index
      %get3A_80 = vector.load %arg7[%get3A_77, %get3A_78, %get3A_79] : memref<1x1x768xf32, #tpu.memory_space<vmem>>, vector<1x1x768xf32>
      %get3A_81 = vector.shape_cast %get3A_80 : vector<1x1x768xf32> to vector<1x768xf32>
      %add3A_82 = vector.broadcast %get3A_81 : vector<1x768xf32> to vector<256x768xf32>
      %add3A_83 = arith.addf %dot_general3A_76, %add3A_82 : vector<256x768xf32>
      %swap3A = arith.constant 0 : index
      %swap3A_84 = arith.constant 0 : index
      %swap3A_85 = vector.load %arg8[%swap3A, %swap3A_84] : memref<256x768xf32, #tpu.memory_space<vmem>>, vector<256x768xf32>
      tpu.vector_store %arg8[%swap3A, %swap3A_84], %add3A_83 {strides = array<i32>} : memref<256x768xf32, #tpu.memory_space<vmem>>, vector<256x768xf32>,
    } else {
    }
    return
  }
  func.func @transform_0(%arg0: i32, %arg1: memref<256xi32, #tpu.memory_space<smem>>, %arg2: memref<8xi32, #tpu.memory_space<smem>>) -> (i32, i32) {
    %get3A = arith.constant 0 : index
    %get3A_0 = memref.load %arg2[%get3A] : memref<8xi32, #tpu.memory_space<smem>>
    %sub3A = arith.constant 1 : i32
    %sub3A_1 = arith.subi %get3A_0, %sub3A : i32
    %min3A = arith.minsi %arg0, %sub3A_1 : i32
    %c0_i32 = arith.constant 0 : i32
    %c0_i32_2 = arith.constant 0 : i32
    return %min3A, %c0_i32 : i32, i32
  }
  func.func @transform_2(%arg0: i32, %arg1: memref<256xi32, #tpu.memory_space<smem>>, %arg2: memref<8xi32, #tpu.memory_space<smem>>) -> (i32, i32, i32) {
    %get3A = arith.index_cast %arg0 : i32 to index
    %get3A_0 = memref.load %arg1[%get3A] : memref<256xi32, #tpu.memory_space<smem>>
    %c0_i32 = arith.constant 0 : i32
    %c0_i32_1 = arith.constant 0 : i32
    %c0_i32_2 = arith.constant 0 : i32
    return %get3A_0, %c0_i32, %c0_i32_1 : i32, i32, i32
  }
  func.func @transform_4(%arg0: i32, %arg1: memref<256xi32, #tpu.memory_space<smem>>, %arg2: memref<8xi32, #tpu.memory_space<smem>>) -> (i32, i32, i32) {
    %get3A = arith.index_cast %arg0 : i32 to index
    %get3A_0 = memref.load %arg1[%get3A] : memref<256xi32, #tpu.memory_space<smem>>
    %c0_i32 = arith.constant 0 : i32
    %c0_i32_1 = arith.constant 0 : i32
    %c0_i32_2 = arith.constant 0 : i32
    return %get3A_0, %c0_i32, %c0_i32_1 : i32, i32, i32
  }
  func.func @transform_5(%arg0: i32, %arg1: memref<256xi32, #tpu.memory_space<smem>>, %arg2: memref<8xi32, #tpu.memory_space<smem>>) -> (i32, i32) {
    %c0_i32 = arith.constant 0 : i32
    %c0_i32_0 = arith.constant 0 : i32
    return %arg0, %c0_i32 : i32, i32
  }
}

</mosaic_0001>

<sc_bundles>
// kernel: kernel.6.cloned.1.call-start
scs
__scs_entry_jumppad:
0x0: {  	(pc) =	sbr.rel $0x88, $3  }
0x1: {  	(tag) =	ssettag $0x0;
	lr =	simm.s32 $0x1  }
0x2: {  	[smem:$0x3F9A] =	sst lr;
	_ =	strace $0xD0000000  }
0x3: {  	_ = 	snop  }
0x4: {  	_ = 	snop  }
0x5: {  	_ = 	snop  }
0x6: {  	_ = 	snop  }
0x7: {  	_ = 	snop  }
__scs_overlays_trampoline_lowered:
0x8: {  	[smem:$0x3FA9] =	sst s0  }
0x9: {  	[smem:$0x3FAA] =	sst s1  }
0xa: {  	[smem:$0x3FAB] =	sst s2  }
0xb: {  	[smem:$0x3FAC] =	sst s3  }
0xc: {  	[smem:$0x3FAD] =	sst s4  }
0xd: {  	[smem:$0x3FAE] =	sst s5  }
0xe: {  	[smem:$0x3FAF] =	sst s6  }
0xf: {  	[smem:$0x3FB0] =	sst s7  }
0x10: {  	[smem:$0x3FB1] =	sst s8  }
0x11: {  	[smem:$0x3FB2] =	sst s9;
	s0 =	simm.s32 @!p0 $0x0  }
0x12: {  	s1 =	sld [smem:$0x3F98];
	s0 =	simm.s32 @p0 $0x1  }
0x13: {  	[smem:$0x3FB3] =	sst s0;
	s0 =	simm.s32 @!p1 $0x0  }
0x14: {  	s2 =	sld [smem:$0x3F97];
	s0 =	simm.s32 @p1 $0x1  }
0x15: {  	[smem:$0x3FB4] =	sst s0;
	s0 =	simm.s32 @!p2 $0x0  }
0x16: {  	s3 =	sld [smem:$0x3FDB];
	s0 =	simm.s32 @p2 $0x1  }
0x17: {  	s4 =	simm.s32 $0x1BF5;
	[smem:$0x3FB6] =	sst s0  }
0x18: {  	s0 =	sld [smem:$0x3F99];
	_ =	swait.ge [sflag:s4], $0x0  }
0x19: {  	s7 =	sld [smem:$0x3F9A]  }
0x1a: {  	s8 =	sadd.s32 $0xFFFFE003, lr  }
0x1b: {  	s9 =	sadd.s32 $0xFFFFFEF7, lr;
	s5 =	simm.s32 $0xFFFFFFFF;
	p2 =	slt.u32 s8, $0xFFFFF086  }
0x1c: {  	p1 =	slt.u32 s9, $0xF7A;
	s5 =	simm.s32 @!p2 $0x0  }
0x1d: {  	s5 =	simm.s32 @p1 $0x1;
	p0 =	seq.s32 s7, s2  }
0x1e: {  	s7 =	smul.u32 @!p0 $0xF7A, s2;
	p2 =	seq.s32 @!p0 s5, $0x0  }
0x1f: {  	s9 =	smul.u32 $0xF7A, s1;
	s8 =	simm.s32 @!p0 $0x1BF5;
	p2 =	por !p2, p0  }
0x20: {  	[sflag:s8] =	ssyncset.s32 @!p0 $0xFFFFF086;
	s6 =	sadd.s32 @!p0 s3, s7;
	s7 =	simm.s32 @!p0 $0x108  }
0x21: {  	s3 =	sadd.s32 s3, s9;
	s6 =	sadd.s32 @!p0 $0x88, s6;
	s7 =	simm.s32 @p2 $0x1082  }
0x22: {  	[simem:s7], [sflag:s8] =	dma.local @!p0 [hbm:s6], $0xF7A  }
0x23: {  	s9 =	sor.u32 $0xD0000000, s2;
	s6 =	simm.s32 $0x108;
	_ =	swait.ge @!p0 [sflag:s8], $0x0  }
0x24: {  	s3 =	sadd.s32 $0x88, s3;
	s6 =	simm.s32 @!p1 $0x1082;
	[sflag:s4] =	ssyncset.s32 $0xFFFFF086  }
0x25: {  	[simem:s6], [sflag:s4] =	dma.local [hbm:s3], $0xF7A  }
0x26: {  	[smem:$0x3F9A] =	sst s1;
	(tag) =	ssettag s2;
	_ =	strace s9  }
0x27: {  	s1 =	sld [smem:$0x3FAA]  }
0x28: {  	s2 =	sld [smem:$0x3FAB]  }
0x29: {  	s4 =	sld [smem:$0x3FAD]  }
0x2a: {  	p0 =	seq.s32 s5, $0x0;
	s5 =	sld [smem:$0x3FAE]  }
0x2b: {  	s6 =	sld [smem:$0x3FAF]  }
0x2c: {  	s7 =	sld [smem:$0x3FB0]  }
0x2d: {  	s3 =	simm.s32 $0x108;
	s8 =	sld [smem:$0x3FB1]  }
0x2e: {  	s3 =	simm.s32 @!p0 $0x1082;
	s9 =	sld [smem:$0x3FB2]  }
0x2f: {  	lr =	sadd.s32 s0, s3;
	s0 =	sld [smem:$0x3FA9]  }
0x30: {  	s3 =	sld [smem:$0x3FAC]  }
0x31: {  	[smem:$0x3FB5] =	sst s10  }
0x32: {  	s10 =	sld [smem:$0x3FB3];
	_ =	sdelay $0x3  }
0x33: {  	p0 =	seq.s32 s10, $0x1;
	s10 =	sld [smem:$0x3FB5];
	_ =	sdelay $0x3  }
0x34: {  	[smem:$0x3FB5] =	sst s10  }
0x35: {  	s10 =	sld [smem:$0x3FB4];
	_ =	sdelay $0x3  }
0x36: {  	p1 =	seq.s32 s10, $0x1;
	s10 =	sld [smem:$0x3FB5];
	_ =	sdelay $0x3  }
0x37: {  	[smem:$0x3FB5] =	sst s10  }
0x38: {  	s10 =	sld [smem:$0x3FB6]  }
0x39: {  	_ = 	snop;
	(pc) =	sbr.ind lr, $3  }
0x3a: {  	_ = 	snop  }
0x3b: {  	_ = 	snop  }
0x3c: {  	p2 =	seq.s32 s10, $0x1;
	s10 =	sld [smem:$0x3FB5]  }
0x3d: {  	_ =	shalt  }
0x3e: {  	_ =	shalt  }
0x3f: {  	_ =	shalt  }
0x40: {  	_ =	shalt  }
0x41: {  	_ =	shalt  }
0x42: {  	_ =	shalt  }
0x43: {  	_ =	shalt  }
0x44: {  	_ =	shalt  }
0x45: {  	_ =	shalt  }
0x46: {  	_ =	shalt  }
0x47: {  	_ =	shalt  }
0x48: {  	_ =	shalt  }
0x49: {  	_ =	shalt  }
0x4a: {  	_ =	shalt  }
0x4b: {  	_ =	shalt  }
0x4c: {  	_ =	shalt  }
0x4d: {  	_ =	shalt  }
0x4e: {  	_ =	shalt  }
0x4f: {  	_ =	shalt  }
0x50: {  	_ =	shalt  }
0x51: {  	_ =	shalt  }
0x52: {  	_ =	shalt  }
0x53: {  	_ =	shalt  }
0x54: {  	_ =	shalt  }
0x55: {  	_ =	shalt  }
0x56: {  	_ =	shalt  }
0x57: {  	_ =	shalt  }
0x58: {  	_ =	shalt  }
0x59: {  	_ =	shalt  }
0x5a: {  	_ =	shalt  }
0x5b: {  	_ =	shalt  }
0x5c: {  	_ =	shalt  }
0x5d: {  	_ =	shalt  }
0x5e: {  	_ =	shalt  }
0x5f: {  	_ =	shalt  }
0x60: {  	_ =	shalt  }
0x61: {  	_ =	shalt  }
0x62: {  	_ =	shalt  }
0x63: {  	_ =	shalt  }
0x64: {  	_ =	shalt  }
0x65: {  	_ =	shalt  }
0x66: {  	_ =	shalt  }
0x67: {  	_ =	shalt  }
0x68: {  	_ =	shalt  }
0x69: {  	_ =	shalt  }
0x6a: {  	_ =	shalt  }
0x6b: {  	_ =	shalt  }
0x6c: {  	_ =	shalt  }
0x6d: {  	_ =	shalt  }
0x6e: {  	_ =	shalt  }
0x6f: {  	_ =	shalt  }
0x70: {  	_ =	shalt  }
0x71: {  	_ =	shalt  }
0x72: {  	_ =	shalt  }
0x73: {  	_ =	shalt  }
0x74: {  	_ =	shalt  }
0x75: {  	_ =	shalt  }
0x76: {  	_ =	shalt  }
0x77: {  	_ =	shalt  }
0x78: {  	_ =	shalt  }
0x79: {  	_ =	shalt  }
0x7a: {  	_ =	shalt  }
0x7b: {  	_ =	shalt  }
0x7c: {  	_ =	shalt  }
0x7d: {  	_ =	shalt  }
0x7e: {  	_ =	shalt  }
0x7f: {  	_ =	shalt  }
0x80: {  	_ =	shalt  }
0x81: {  	_ =	shalt  }
0x82: {  	_ =	shalt  }
0x83: {  	_ =	shalt  }
0x84: {  	_ =	shalt  }
0x85: {  	_ =	shalt  }
0x86: {  	_ =	shalt  }
0x87: {  	_ =	shalt  }
.Lfunc_end0:
.L_simem_size_0:
called_computation_lowered:
.L_overlay_start_0:
0x88: {  	s2 =	sld [smem:$0x3FD9]  }
0x89: {  	s3 =	sld [smem:$0x3FFE];
	_ =	sdelay $0x1  }
0x8a: {  	s1 =	srdreg.scid  }
0x8b: {  	s0 =	sand.u32 $0x1, s1  }
0x8c: {  	s17 =	sshll.u32 s0, $0xA;
	s2 =	sadd.s32 s3, s2  }
0x8d: {  	s2 =	sadd.s32 s2, s17  }
0x8e: {  	[smem:$0x3FC1] =	sst s2  }
0x8f: {  	_ = 	snop  }
0x90: {  	s2 =	sld [smem:$0x3FC9];
	(tm) =	ssettm $0x1  }
0x91: {  	s18 =	sld [smem:$0x3FFB];
	_ =	sdelay $0x3  }
0x92: {  	_ =	strace s18  }
0x93: {  	s3 =	sld [smem:$0x3FFC];
	_ =	sdelay $0x3  }
0x94: {  	_ =	strace s3  }
0x95: {  	s3 =	sld [smem:$0x3FFD];
	_ =	sdelay $0x3  }
0x96: {  	_ =	strace s3  }
0x97: {  	_ =	strace $0x8FFFFFFF  }
0x98: {  	s19 =	sld [smem:$0x3FDB];
	_ =	sdelay $0x1  }
0x99: {  	s4 =	simm.s32 $_scs_section_size  }
0x9a: {  	s5 =	simm.s32 $_size__tile_overlayer_lowered;
	s6 =	simm.s32 $_tile_overlayer_lowered  }
0x9b: {  	s22 =	simm.s32 $0x1BFF;
	s21 =	sshll.u32 s6, $0x1;
	s3 =	sadd.s32 s4, s19  }
0x9c: {  	s7 =	simm.s32 $0x0;
	s20 =	sshll.u32 s5, $0x1;
	s5 =	sadd.s32 s21, s3  }
0x9d: {  	[timem:s7], [sflag:s22] =	dma.local [hbm:s5], s20  }
0x9e: {  	_ =	swait.ge [sflag:s22], s20  }
0x9f: {  	s4 =	ssub.s32 $0x0, s20;
	[sflag:s22] =	ssyncset.done $0x0  }
0xa0: {  	[sflag:s22] =	ssyncadd.s32 s4;
	_ =	sdelay $0x1  }
0xa1: {  	s23 =	simm.s32 $0x1B8B  }
0xa2: {  	_ =	swait.ge [sflag:s23], $0x1  }
0xa3: {  	[sflag:s23] =	ssyncset.done $0x0  }
0xa4: {  	s25 =	simm.s32 $0x1B8E;
	s24 =	sld [smem:$0x3FFE];
	[sflag:s23] =	ssyncadd.s32 $0xFFFFFFFF  }
0xa5: {  	s26 =	simm.s32 $execute0_lowered;
	[smem:$0x3FD2] =	sst s25  }
0xa6: {  	s5 =	sshll.u32 s26, $0x1;
	_ =	strace $0x80000046;
	[dreg:$0x1] =	wrdreg $0xFFFFFFFF  }
0xa7: {  	s28 =	simm.s32 $_size_execute0_lowered;
	s3 =	sadd.s32 s3, s5;
	[dreg:$0x0] =	wrdreg $0x0  }
0xa8: {  	s5 =	sshll.u32 s28, $0x1;
	[dreg:$0x2] =	wrdreg s3  }
0xa9: {  	[dreg:$0x3] =	wrdreg s5  }
0xaa: {  	[dreg:$0x4] =	wrdreg $0xC0  }
0xab: {  	_ =	task [dreg:s7], $0x5FFFF  }
0xac: {  	[dreg:$0x1] =	wrdreg $0xFFFFFFFF  }
0xad: {  	[dreg:$0x0] =	wrdreg $0x60  }
0xae: {  	[dreg:$0x2] =	wrdreg s2  }
0xaf: {  	[dreg:$0x3] =	wrdreg s24  }
0xb0: {  	[dreg:$0x4] =	wrdreg $0x9  }
0xb1: {  	_ =	task.clear_ibuf [dreg:s7], $0x5FFFF;
	_ =	strace $0x90000046  }
0xb2: {  	s29 =	simm.s32 $0x9;
	_ =	strace $0x80000048  }
0xb3: {  	_ =	swait.ge [sflag:s29], $0x1  }
0xb4: {  	[sflag:s29] =	ssyncadd.s32 $0xFFFFFFFF  }
0xb5: {  	_ =	strace $0x90000048  }
0xb6: {  	_ =	sfence  }
0xb7: {  	s30 =	sld [smem:$0x0];
	_ =	sdelay $0x2  }
0xb8: {  	s31 =	sshll.u32 s1, $0xD;
	s1 =	sshrl.u32 s1, $0x2  }
0xb9: {  	s3 =	sand.u32 $0x4000, s31;
	s1 =	sadd.s32 s1, s30  }
0xba: {  	s0 =	sor.u32 s3, s0;
	s1 =	sshll.u32 s1, $0x11  }
0xbb: {  	s0 =	sor.u32 s1, s0  }
0xbc: {  	s0 =	sadd.s32 $0x8F2B, s0  }
0xbd: {  	[sflag:s0] =	ssyncadd.remote.s32 $0x1  }
0xbe: {  	_ =	sfence.sel $0xFFFF  }
0xbf: {  	[dreg:$0x0] =	wrdreg $0xFFFFFFFF;
	(pc) =	sbr.abs _section_cstart, $3  }
0xc0: {  	[dreg:$0x1] =	wrdreg $0xFFFFFFFF  }
0xc1: {  	_ =	task.clear_ibuf [dreg:s7], $0x2FFFF;
	_ =	strace $0x9FFFFFFF  }
0xc2: {  	(tm) =	ssettm $0x7FFFFFFF  }
0xc3: {  	_ =	shalt  }
tec
execute0_lowered:
.L_overlay_start_1:
0x0: {  	(tag) =	ssettag $0x1  }
0x1: {  	s1 =	srdreg.scid  }
0x2: {  	s3 =	rddreg [dreg:$0x0];
	s0 =	stileid.u32  }
0x3: {  	s5 =	rddreg [dreg:$0x1];
	s2 =	simm.s32 $0x0;
	s8 =	simm.s32 $0x80  }
0x4: {  	s26 =	simm.s32 $0x880;
	s9 =	simm.s32 $0x1080;
	s10 =	simm.s32 $0x1880  }
0x5: {  	s11 =	simm.s32 $0x2080;
	s12 =	simm.s32 $0x2880;
	s13 =	simm.s32 $0x3080  }
0x6: {  	s14 =	simm.s32 $0x3880;
	s15 =	simm.s32 $0x4080;
	s16 =	simm.s32 $0x4880  }
0x7: {  	s17 =	simm.s32 $0x5080;
	s18 =	simm.s32 $0x5880;
	s19 =	simm.s32 $0x6080  }
0x8: {  	s20 =	simm.s32 $0x6880;
	s21 =	simm.s32 $0x7080;
	s22 =	simm.s32 $0x7880  }
0x9: {  	s23 =	simm.s32 $0x8080;
	s24 =	simm.s32 $0x8880;
	s25 =	simm.s32 $0x9080  }
0xa: {  	s28 =	simm.s32 $0xA080;
	s29 =	simm.s32 $0xA880;
	s30 =	simm.s32 $0xB080  }
0xb: {  	s31 =	simm.s32 $0xB880;
	s1 =	sand.u32 $0x1, s1;
	[smem:$0x7FF] =	sst s2  }
0xc: {  	s4 =	sshll.u32 s0, $0x4;
	s6 =	sshll.u32 s1, $0x3;
	_ =	strace $0x80000047  }
0xd: {  	s1 =	ssub.s32 $0x2, s1;
	[dreg:$0x5] =	wrdreg s26;
	s4 =	sor.u32 s6, s4  }
0xe: {  	s7 =	sshrl.u32 s1, $0x1;
	s6 =	sadd.s32 s4, s5;
	s4 =	smul.u32 $0x300, s4  }
0xf: {  	s26 =	simm.s32 $0x9880;
	s1 =	ssub.s32 s1, s7;
	s6 =	sadd.s32 $0x1600, s6  }
0x10: {  	v2 =	vlaneseq.u32;
	s7 =	simm.s32 $0x2;
	[dreg:$0x3] =	wrdreg s6;
	s4 =	sadd.s32 s3, s4  }
0x11: {  	vm0 =	vmmov $0xffff;
	v1 =	vshrl.u32 v2, $0x3;
	s3 =	sadd.s32 $0x1800, s5;
	s6 =	smax.u32 s1, $0x1;
	s1 =	simm.s32 $0x1  }
0x12: {  	v0 =	vand.u32 $0x7, v2;
	v2 =	vor.u32 $0x8, v2;
	v1 =	vmul.u32 $0x8, v1;
	[dreg:$0x4] =	wrdreg s4;
	s4 =	sadd.s32 $0x1900, s5;
	s5 =	sadd.s32 $0x1A00, s5  }
.LBB2_1:
0x13: {  	s0 =	rddreg [dreg:$0x3]  }
0x14: {  	[tilespmem:s2], [sflag:$0x2] =	stream.linear.gather [hbm4b:s0+s2], $0x40, $0x38;
	[tilespmem:$0xC080] =	vst v63  }
0x15: {  	_ =	swait.ge [sflag:s7], $0x40  }
0x16: {  	[sflag:s7] =	ssyncset.done $0x0  }
0x17: {  	s0 =	rddreg [dreg:$0x4];
	[sflag:s7] =	ssyncadd.s32 $0xFFFFFFC0  }
0x18: {  	[tilespmem:s8], [sflag:$0x2] =	stream.linear.gather [hbm4b:s0+s2], $0xC000, $0x38;
	[tilespmem:$0xC080] =	vst v63  }
0x19: {  	_ =	swait.ge [sflag:s7], $0xC000  }
0x1a: {  	[sflag:s7] =	ssyncset.done $0x0  }
0x1b: {  	[sflag:s7] =	ssyncadd.s32 $0xFFFF4000  }
0x1c: {  	v3 =	vld [tilespmem:$0x0];
	_ =	sdelay $0x4  }
0x1d: {  	v4 =	vshrl.u32 v3, $0x3  }
0x1e: {  	v4 =	vmul.u32 $0x30, v4  }
0x1f: {  	v3 =	vand.u32 $0x7, v3  }
0x20: {  	v3 =	vor.u32 v3, v4  }
0x21: {  	v4 =	vperm.xlane v3, v0;
	_ =	sdelay $0x1  }
0x22: {  	v4 =	vadd.s32 v1, v4;
	_ =	sdelay $0x3  }
0x23: {  	v3 =	vperm.xlane v3, v2  }
0x24: {  	[hbm4b:s3+s2] =	stream.indirect_vreg.scatter [tilespmem:s8], [sflag:$0x1], $0x80, v4, vm0, $0xb8;
	[tilespmem:$0xC080] =	vst v63  }
0x25: {  	s0 =	rddreg [dreg:$0x5];
	v3 =	vadd.s32 v1, v3  }
0x26: {  	[hbm4b:s4+s2] =	stream.indirect_vreg.scatter [tilespmem:s0], [sflag:$0x1], $0x80, v4, vm0, $0xb8;
	[tilespmem:$0xC080] =	vst v63  }
0x27: {  	_ = 	snop  }
0x28: {  	[hbm4b:s5+s2] =	stream.indirect_vreg.scatter [tilespmem:s9], [sflag:$0x1], $0x80, v4, vm0, $0xb8;
	[tilespmem:$0xC080] =	vst v63  }
0x29: {  	_ = 	snop  }
0x2a: {  	[hbm4b:s3+s2] =	stream.indirect_vreg.scatter [tilespmem:s10], [sflag:$0x1], $0x80, v3, vm0, $0xb8;
	[tilespmem:$0xC080] =	vst v63  }
0x2b: {  	_ = 	snop  }
0x2c: {  	[hbm4b:s4+s2] =	stream.indirect_vreg.scatter [tilespmem:s11], [sflag:$0x1], $0x80, v3, vm0, $0xb8;
	[tilespmem:$0xC080] =	vst v63  }
0x2d: {  	_ = 	snop  }
0x2e: {  	[hbm4b:s5+s2] =	stream.indirect_vreg.scatter [tilespmem:s12], [sflag:$0x1], $0x80, v3, vm0, $0xb8;
	[tilespmem:$0xC080] =	vst v63  }
0x2f: {  	v3 =	vld [tilespmem:$0x10];
	_ =	sdelay $0x4  }
0x30: {  	v61 =	vshrl.u32 v3, $0x3  }
0x31: {  	v4 =	vmul.u32 $0x30, v61  }
0x32: {  	v3 =	vand.u32 $0x7, v3  }
0x33: {  	v3 =	vor.u32 v3, v4  }
0x34: {  	v4 =	vperm.xlane v3, v0;
	_ =	sdelay $0x1  }
0x35: {  	v4 =	vadd.s32 v1, v4;
	_ =	sdelay $0x3  }
0x36: {  	v3 =	vperm.xlane v3, v2  }
0x37: {  	[hbm4b:s3+s2] =	stream.indirect_vreg.scatter [tilespmem:s13], [sflag:$0x1], $0x80, v4, vm0, $0xb8;
	[tilespmem:$0xC080] =	vst v63  }
0x38: {  	v3 =	vadd.s32 v1, v3  }
0x39: {  	[hbm4b:s4+s2] =	stream.indirect_vreg.scatter [tilespmem:s14], [sflag:$0x1], $0x80, v4, vm0, $0xb8;
	[tilespmem:$0xC080] =	vst v63  }
0x3a: {  	_ = 	snop  }
0x3b: {  	[hbm4b:s5+s2] =	stream.indirect_vreg.scatter [tilespmem:s15], [sflag:$0x1], $0x80, v4, vm0, $0xb8;
	[tilespmem:$0xC080] =	vst v63  }
0x3c: {  	_ = 	snop  }
0x3d: {  	[hbm4b:s3+s2] =	stream.indirect_vreg.scatter [tilespmem:s16], [sflag:$0x1], $0x80, v3, vm0, $0xb8;
	[tilespmem:$0xC080] =	vst v63  }
0x3e: {  	_ = 	snop  }
0x3f: {  	[hbm4b:s4+s2] =	stream.indirect_vreg.scatter [tilespmem:s17], [sflag:$0x1], $0x80, v3, vm0, $0xb8;
	[tilespmem:$0xC080] =	vst v63  }
0x40: {  	_ = 	snop  }
0x41: {  	[hbm4b:s5+s2] =	stream.indirect_vreg.scatter [tilespmem:s18], [sflag:$0x1], $0x80, v3, vm0, $0xb8;
	[tilespmem:$0xC080] =	vst v63  }
0x42: {  	v3 =	vld [tilespmem:$0x20];
	_ =	sdelay $0x4  }
0x43: {  	v62 =	vshrl.u32 v3, $0x3  }
0x44: {  	v4 =	vmul.u32 $0x30, v62  }
0x45: {  	v3 =	vand.u32 $0x7, v3  }
0x46: {  	v3 =	vor.u32 v3, v4  }
0x47: {  	v4 =	vperm.xlane v3, v0;
	_ =	sdelay $0x1  }
0x48: {  	v4 =	vadd.s32 v1, v4;
	_ =	sdelay $0x3  }
0x49: {  	v3 =	vperm.xlane v3, v2  }
0x4a: {  	[hbm4b:s3+s2] =	stream.indirect_vreg.scatter [tilespmem:s19], [sflag:$0x1], $0x80, v4, vm0, $0xb8;
	[tilespmem:$0xC080] =	vst v63  }
0x4b: {  	v3 =	vadd.s32 v1, v3  }
0x4c: {  	[hbm4b:s4+s2] =	stream.indirect_vreg.scatter [tilespmem:s20], [sflag:$0x1], $0x80, v4, vm0, $0xb8;
	[tilespmem:$0xC080] =	vst v63  }
0x4d: {  	_ = 	snop  }
0x4e: {  	[hbm4b:s5+s2] =	stream.indirect_vreg.scatter [tilespmem:s21], [sflag:$0x1], $0x80, v4, vm0, $0xb8;
	[tilespmem:$0xC080] =	vst v63  }
0x4f: {  	_ = 	snop  }
0x50: {  	[hbm4b:s3+s2] =	stream.indirect_vreg.scatter [tilespmem:s22], [sflag:$0x1], $0x80, v3, vm0, $0xb8;
	[tilespmem:$0xC080] =	vst v63  }
0x51: {  	_ = 	snop  }
0x52: {  	[hbm4b:s4+s2] =	stream.indirect_vreg.scatter [tilespmem:s23], [sflag:$0x1], $0x80, v3, vm0, $0xb8;
	[tilespmem:$0xC080] =	vst v63  }
0x53: {  	_ = 	snop  }
0x54: {  	[hbm4b:s5+s2] =	stream.indirect_vreg.scatter [tilespmem:s24], [sflag:$0x1], $0x80, v3, vm0, $0xb8;
	[tilespmem:$0xC080] =	vst v63  }
0x55: {  	v3 =	vld [tilespmem:$0x30];
	_ =	sdelay $0x4  }
0x56: {  	v63 =	vshrl.u32 v3, $0x3  }
0x57: {  	v4 =	vmul.u32 $0x30, v63  }
0x58: {  	v3 =	vand.u32 $0x7, v3  }
0x59: {  	v3 =	vor.u32 v3, v4  }
0x5a: {  	v4 =	vperm.xlane v3, v0;
	_ =	sdelay $0x1  }
0x5b: {  	v4 =	vadd.s32 v1, v4;
	_ =	sdelay $0x3  }
0x5c: {  	v3 =	vperm.xlane v3, v2  }
0x5d: {  	[hbm4b:s3+s2] =	stream.indirect_vreg.scatter [tilespmem:s25], [sflag:$0x1], $0x80, v4, vm0, $0xb8;
	[tilespmem:$0xC080] =	vst v63  }
0x5e: {  	v3 =	vadd.s32 v1, v3  }
0x5f: {  	[hbm4b:s4+s2] =	stream.indirect_vreg.scatter [tilespmem:s26], [sflag:$0x1], $0x80, v4, vm0, $0xb8;
	[tilespmem:$0xC080] =	vst v63  }
0x60: {  	_ = 	snop  }
0x61: {  	[hbm4b:s5+s2] =	stream.indirect_vreg.scatter [tilespmem:s28], [sflag:$0x1], $0x80, v4, vm0, $0xb8;
	[tilespmem:$0xC080] =	vst v63  }
0x62: {  	_ = 	snop  }
0x63: {  	[hbm4b:s3+s2] =	stream.indirect_vreg.scatter [tilespmem:s29], [sflag:$0x1], $0x80, v3, vm0, $0xb8;
	[tilespmem:$0xC080] =	vst v63  }
0x64: {  	p0 =	sne.s32 s6, $0x1  }
0x65: {  	[hbm4b:s4+s2] =	stream.indirect_vreg.scatter [tilespmem:s30], [sflag:$0x1], $0x80, v3, vm0, $0xb8;
	[tilespmem:$0xC080] =	vst v63  }
.Ltmp0:
0x66: {  	_ = 	snop;
	(pc) =	sbr.rel @p0 .LBB2_1-.Ltmp0, $4  }
0x67: {  	[hbm4b:s5+s2] =	stream.indirect_vreg.scatter [tilespmem:s31], [sflag:$0x1], $0x80, v3, vm0, $0xb8;
	[tilespmem:$0xC080] =	vst v63  }
0x68: {  	_ =	swait.ge [sflag:s1], $0xC000  }
0x69: {  	[sflag:s1] =	ssyncset.done $0x0  }
0x6a: {  	s6 =	sadd.s32 $0xFFFFFFFF, s6;
	[sflag:s1] =	ssyncadd.s32 $0xFFFF4000  }
0x6b: {  	_ =	sfence.sel $0x180000  }
0x6c: {  	[bflag:$0x0] =	sbarrier.arrive $0xFFFF  }
0x6d: {  	_ =	strace $0x90000047  }
0x6e: {  	s0 =	stileid.u32;
	[bflag:$0x2] =	sbarrier.arrive $0xFFFF  }
0x6f: {  	p0 =	sne.s32 s0, $0x0;
	s0 =	rddreg [dreg:$0x2]  }
0x70: {  	s0 =	sadd.s32 @!p0 $0x100000, s0  }
0x71: {  	[sflag:s0] =	ssyncadd.tile.s32 @!p0 $0x1;
	_ =	shalt  }
.Lfunc_end2:
_tile_overlayer_lowered:
.L_overlay_start_2:
0x72: {  	(tag) =	ssettag $0x2  }
0x73: {  	s0 =	rddreg [dreg:$0x0];
	s2 =	stileid.u32  }
0x74: {  	s1 =	rddreg [dreg:$0x1];
	p0 =	sne.s32 s2, $0x0  }
0x75: {  	s3 =	rddreg [dreg:$0x2];
	[bflag:$0x3] =	sbarrier.arrive $0xFFFF;
	s2 =	simm.s32 @!p0 $0x1C02  }
0x76: {  	[timem:s3], [sflag:s2] =	dma.local @!p0 [hbm:s0], s1  }
0x77: {  	s0 =	simm.s32 @!p0 $0x2  }
0x78: {  	_ =	swait.ge @!p0 [sflag:s0], s1  }
0x79: {  	s1 =	ssub.s32 @!p0 $0x0, s1;
	[sflag:s0] =	ssyncset.done @!p0 $0x0  }
0x7a: {  	[sflag:s0] =	ssyncadd.s32 @!p0 s1  }
0x7b: {  	[bflag:$0x3] =	sbarrier.arrive $0xFFFF  }
0x7c: {  	_ =	shalt  }

// kernel: kernel.9.cloned.1.call-start
scs
__scs_entry_jumppad:
0x0: {  	(pc) =	sbr.rel $0x88, $3  }
0x1: {  	(tag) =	ssettag $0x0;
	lr =	simm.s32 $0x1  }
0x2: {  	[smem:$0x3F9A] =	sst lr;
	_ =	strace $0xD0000000  }
0x3: {  	_ = 	snop  }
0x4: {  	_ = 	snop  }
0x5: {  	_ = 	snop  }
0x6: {  	_ = 	snop  }
0x7: {  	_ = 	snop  }
__scs_overlays_trampoline_lowered:
0x8: {  	[smem:$0x3FA9] =	sst s0  }
0x9: {  	[smem:$0x3FAA] =	sst s1  }
0xa: {  	[smem:$0x3FAB] =	sst s2  }
0xb: {  	[smem:$0x3FAC] =	sst s3  }
0xc: {  	[smem:$0x3FAD] =	sst s4  }
0xd: {  	[smem:$0x3FAE] =	sst s5  }
0xe: {  	[smem:$0x3FAF] =	sst s6  }
0xf: {  	[smem:$0x3FB0] =	sst s7  }
0x10: {  	[smem:$0x3FB1] =	sst s8  }
0x11: {  	[smem:$0x3FB2] =	sst s9;
	s0 =	simm.s32 @!p0 $0x0  }
0x12: {  	s1 =	sld [smem:$0x3F98];
	s0 =	simm.s32 @p0 $0x1  }
0x13: {  	[smem:$0x3FB3] =	sst s0;
	s0 =	simm.s32 @!p1 $0x0  }
0x14: {  	s2 =	sld [smem:$0x3F97];
	s0 =	simm.s32 @p1 $0x1  }
0x15: {  	[smem:$0x3FB4] =	sst s0;
	s0 =	simm.s32 @!p2 $0x0  }
0x16: {  	s3 =	sld [smem:$0x3FDB];
	s0 =	simm.s32 @p2 $0x1  }
0x17: {  	s4 =	simm.s32 $0x1BF5;
	[smem:$0x3FB6] =	sst s0  }
0x18: {  	s0 =	sld [smem:$0x3F99];
	_ =	swait.ge [sflag:s4], $0x0  }
0x19: {  	s7 =	sld [smem:$0x3F9A]  }
0x1a: {  	s8 =	sadd.s32 $0xFFFFE003, lr  }
0x1b: {  	s9 =	sadd.s32 $0xFFFFFEF7, lr;
	s5 =	simm.s32 $0xFFFFFFFF;
	p2 =	slt.u32 s8, $0xFFFFF086  }
0x1c: {  	p1 =	slt.u32 s9, $0xF7A;
	s5 =	simm.s32 @!p2 $0x0  }
0x1d: {  	s5 =	simm.s32 @p1 $0x1;
	p0 =	seq.s32 s7, s2  }
0x1e: {  	s7 =	smul.u32 @!p0 $0xF7A, s2;
	p2 =	seq.s32 @!p0 s5, $0x0  }
0x1f: {  	s9 =	smul.u32 $0xF7A, s1;
	s8 =	simm.s32 @!p0 $0x1BF5;
	p2 =	por !p2, p0  }
0x20: {  	[sflag:s8] =	ssyncset.s32 @!p0 $0xFFFFF086;
	s6 =	sadd.s32 @!p0 s3, s7;
	s7 =	simm.s32 @!p0 $0x108  }
0x21: {  	s3 =	sadd.s32 s3, s9;
	s6 =	sadd.s32 @!p0 $0x88, s6;
	s7 =	simm.s32 @p2 $0x1082  }
0x22: {  	[simem:s7], [sflag:s8] =	dma.local @!p0 [hbm:s6], $0xF7A  }
0x23: {  	s9 =	sor.u32 $0xD0000000, s2;
	s6 =	simm.s32 $0x108;
	_ =	swait.ge @!p0 [sflag:s8], $0x0  }
0x24: {  	s3 =	sadd.s32 $0x88, s3;
	s6 =	simm.s32 @!p1 $0x1082;
	[sflag:s4] =	ssyncset.s32 $0xFFFFF086  }
0x25: {  	[simem:s6], [sflag:s4] =	dma.local [hbm:s3], $0xF7A  }
0x26: {  	[smem:$0x3F9A] =	sst s1;
	(tag) =	ssettag s2;
	_ =	strace s9  }
0x27: {  	s1 =	sld [smem:$0x3FAA]  }
0x28: {  	s2 =	sld [smem:$0x3FAB]  }
0x29: {  	s4 =	sld [smem:$0x3FAD]  }
0x2a: {  	p0 =	seq.s32 s5, $0x0;
	s5 =	sld [smem:$0x3FAE]  }
0x2b: {  	s6 =	sld [smem:$0x3FAF]  }
0x2c: {  	s7 =	sld [smem:$0x3FB0]  }
0x2d: {  	s3 =	simm.s32 $0x108;
	s8 =	sld [smem:$0x3FB1]  }
0x2e: {  	s3 =	simm.s32 @!p0 $0x1082;
	s9 =	sld [smem:$0x3FB2]  }
0x2f: {  	lr =	sadd.s32 s0, s3;
	s0 =	sld [smem:$0x3FA9]  }
0x30: {  	s3 =	sld [smem:$0x3FAC]  }
0x31: {  	[smem:$0x3FB5] =	sst s10  }
0x32: {  	s10 =	sld [smem:$0x3FB3];
	_ =	sdelay $0x3  }
0x33: {  	p0 =	seq.s32 s10, $0x1;
	s10 =	sld [smem:$0x3FB5];
	_ =	sdelay $0x3  }
0x34: {  	[smem:$0x3FB5] =	sst s10  }
0x35: {  	s10 =	sld [smem:$0x3FB4];
	_ =	sdelay $0x3  }
0x36: {  	p1 =	seq.s32 s10, $0x1;
	s10 =	sld [smem:$0x3FB5];
	_ =	sdelay $0x3  }
0x37: {  	[smem:$0x3FB5] =	sst s10  }
0x38: {  	s10 =	sld [smem:$0x3FB6]  }
0x39: {  	_ = 	snop;
	(pc) =	sbr.ind lr, $3  }
0x3a: {  	_ = 	snop  }
0x3b: {  	_ = 	snop  }
0x3c: {  	p2 =	seq.s32 s10, $0x1;
	s10 =	sld [smem:$0x3FB5]  }
0x3d: {  	_ =	shalt  }
0x3e: {  	_ =	shalt  }
0x3f: {  	_ =	shalt  }
0x40: {  	_ =	shalt  }
0x41: {  	_ =	shalt  }
0x42: {  	_ =	shalt  }
0x43: {  	_ =	shalt  }
0x44: {  	_ =	shalt  }
0x45: {  	_ =	shalt  }
0x46: {  	_ =	shalt  }
0x47: {  	_ =	shalt  }
0x48: {  	_ =	shalt  }
0x49: {  	_ =	shalt  }
0x4a: {  	_ =	shalt  }
0x4b: {  	_ =	shalt  }
0x4c: {  	_ =	shalt  }
0x4d: {  	_ =	shalt  }
0x4e: {  	_ =	shalt  }
0x4f: {  	_ =	shalt  }
0x50: {  	_ =	shalt  }
0x51: {  	_ =	shalt  }
0x52: {  	_ =	shalt  }
0x53: {  	_ =	shalt  }
0x54: {  	_ =	shalt  }
0x55: {  	_ =	shalt  }
0x56: {  	_ =	shalt  }
0x57: {  	_ =	shalt  }
0x58: {  	_ =	shalt  }
0x59: {  	_ =	shalt  }
0x5a: {  	_ =	shalt  }
0x5b: {  	_ =	shalt  }
0x5c: {  	_ =	shalt  }
0x5d: {  	_ =	shalt  }
0x5e: {  	_ =	shalt  }
0x5f: {  	_ =	shalt  }
0x60: {  	_ =	shalt  }
0x61: {  	_ =	shalt  }
0x62: {  	_ =	shalt  }
0x63: {  	_ =	shalt  }
0x64: {  	_ =	shalt  }
0x65: {  	_ =	shalt  }
0x66: {  	_ =	shalt  }
0x67: {  	_ =	shalt  }
0x68: {  	_ =	shalt  }
0x69: {  	_ =	shalt  }
0x6a: {  	_ =	shalt  }
0x6b: {  	_ =	shalt  }
0x6c: {  	_ =	shalt  }
0x6d: {  	_ =	shalt  }
0x6e: {  	_ =	shalt  }
0x6f: {  	_ =	shalt  }
0x70: {  	_ =	shalt  }
0x71: {  	_ =	shalt  }
0x72: {  	_ =	shalt  }
0x73: {  	_ =	shalt  }
0x74: {  	_ =	shalt  }
0x75: {  	_ =	shalt  }
0x76: {  	_ =	shalt  }
0x77: {  	_ =	shalt  }
0x78: {  	_ =	shalt  }
0x79: {  	_ =	shalt  }
0x7a: {  	_ =	shalt  }
0x7b: {  	_ =	shalt  }
0x7c: {  	_ =	shalt  }
0x7d: {  	_ =	shalt  }
0x7e: {  	_ =	shalt  }
0x7f: {  	_ =	shalt  }
0x80: {  	_ =	shalt  }
0x81: {  	_ =	shalt  }
0x82: {  	_ =	shalt  }
0x83: {  	_ =	shalt  }
0x84: {  	_ =	shalt  }
0x85: {  	_ =	shalt  }
0x86: {  	_ =	shalt  }
0x87: {  	_ =	shalt  }
.Lfunc_end0:
.L_simem_size_0:
called_computation.1_lowered:
.L_overlay_start_0:
0x88: {  	s2 =	sld [smem:$0x3FD9]  }
0x89: {  	s3 =	sld [smem:$0x3FFE];
	_ =	sdelay $0x1  }
0x8a: {  	s1 =	srdreg.scid  }
0x8b: {  	s0 =	sand.u32 $0x1, s1  }
0x8c: {  	s14 =	sshll.u32 s0, $0xA;
	s2 =	sadd.s32 s3, s2  }
0x8d: {  	s2 =	sadd.s32 s2, s14  }
0x8e: {  	[smem:$0x3FC1] =	sst s2  }
0x8f: {  	_ = 	snop  }
0x90: {  	s2 =	sld [smem:$0x3FD0];
	_ =	sdelay $0x2  }
0x91: {  	s15 =	simm.s32 $0xA;
	s4 =	simm.s32 $0x10  }
0x92: {  	[smem:s4], [sflag:s15] =	dma.local [hbm:s2], $0x1  }
0x93: {  	_ =	swait.eq [sflag:s15], $0x1  }
0x94: {  	[sflag:s15] =	ssyncset.done $0x0  }
0x95: {  	[sflag:s15] =	ssyncadd.s32 $0xFFFFFFFF  }
0x96: {  	s16 =	sld [smem:$0x10];
	(tm) =	ssettm $0x1  }
0x97: {  	s17 =	sld [smem:$0x3FFB];
	_ =	sdelay $0x3  }
0x98: {  	_ =	strace s17  }
0x99: {  	s3 =	sld [smem:$0x3FFC];
	_ =	sdelay $0x3  }
0x9a: {  	_ =	strace s3  }
0x9b: {  	s3 =	sld [smem:$0x3FFD];
	_ =	sdelay $0x3  }
0x9c: {  	_ =	strace s3  }
0x9d: {  	_ =	strace $0x8FFFFFFF  }
0x9e: {  	s18 =	sld [smem:$0x3FDB];
	_ =	sdelay $0x1  }
0x9f: {  	s19 =	simm.s32 $_scs_section_size  }
0xa0: {  	s5 =	simm.s32 $_size__tile_overlayer_lowered;
	s6 =	simm.s32 $_tile_overlayer_lowered  }
0xa1: {  	s22 =	simm.s32 $0x1BFF;
	s21 =	sshll.u32 s6, $0x1;
	s3 =	sadd.s32 s19, s18  }
0xa2: {  	s7 =	simm.s32 $0x0;
	s20 =	sshll.u32 s5, $0x1;
	s5 =	sadd.s32 s21, s3  }
0xa3: {  	[timem:s7], [sflag:s22] =	dma.local [hbm:s5], s20  }
0xa4: {  	_ =	swait.ge [sflag:s22], s20  }
0xa5: {  	s4 =	ssub.s32 $0x0, s20;
	[sflag:s22] =	ssyncset.done $0x0  }
0xa6: {  	[sflag:s22] =	ssyncadd.s32 s4;
	_ =	sdelay $0x1  }
0xa7: {  	s23 =	simm.s32 $0x1B8B  }
0xa8: {  	_ =	swait.ge [sflag:s23], $0x1  }
0xa9: {  	[sflag:s23] =	ssyncset.done $0x0  }
0xaa: {  	s25 =	simm.s32 $0x1B8E;
	s24 =	sld [smem:$0x3FFE];
	[sflag:s23] =	ssyncadd.s32 $0xFFFFFFFF  }
0xab: {  	s26 =	simm.s32 $execute0_lowered;
	[smem:$0x3FD2] =	sst s25  }
0xac: {  	s5 =	sshll.u32 s26, $0x1;
	_ =	strace $0x80000049;
	[dreg:$0x1] =	wrdreg $0xFFFFFFFF  }
0xad: {  	s28 =	simm.s32 $_size_execute0_lowered;
	s3 =	sadd.s32 s3, s5;
	[dreg:$0x0] =	wrdreg $0x0  }
0xae: {  	s5 =	sshll.u32 s28, $0x1;
	[dreg:$0x2] =	wrdreg s3  }
0xaf: {  	[dreg:$0x3] =	wrdreg s5  }
0xb0: {  	[dreg:$0x4] =	wrdreg $0xC0  }
0xb1: {  	_ =	task [dreg:s7], $0x5FFFF  }
0xb2: {  	[dreg:$0x1] =	wrdreg $0xFFFFFFFF  }
0xb3: {  	[dreg:$0x0] =	wrdreg $0x60  }
0xb4: {  	[dreg:$0x2] =	wrdreg s24  }
0xb5: {  	[dreg:$0x3] =	wrdreg s16  }
0xb6: {  	[dreg:$0x4] =	wrdreg $0x9  }
0xb7: {  	_ =	task.clear_ibuf [dreg:s7], $0x5FFFF;
	_ =	strace $0x90000049  }
0xb8: {  	s29 =	simm.s32 $0x9;
	_ =	strace $0x8000004B  }
0xb9: {  	_ =	swait.ge [sflag:s29], $0x1  }
0xba: {  	[sflag:s29] =	ssyncadd.s32 $0xFFFFFFFF  }
0xbb: {  	_ =	strace $0x9000004B  }
0xbc: {  	_ =	sfence  }
0xbd: {  	s30 =	sld [smem:$0x0];
	_ =	sdelay $0x2  }
0xbe: {  	s31 =	sshll.u32 s1, $0xD;
	s1 =	sshrl.u32 s1, $0x2  }
0xbf: {  	s3 =	sand.u32 $0x4000, s31;
	s1 =	sadd.s32 s1, s30  }
0xc0: {  	s0 =	sor.u32 s3, s0;
	s1 =	sshll.u32 s1, $0x11  }
0xc1: {  	s0 =	sor.u32 s1, s0  }
0xc2: {  	s0 =	sadd.s32 $0x8F2B, s0  }
0xc3: {  	[sflag:s0] =	ssyncadd.remote.s32 $0x1  }
0xc4: {  	_ =	sfence.sel $0xFFFF  }
0xc5: {  	[dreg:$0x0] =	wrdreg $0xFFFFFFFF;
	(pc) =	sbr.abs _section_cstart, $3  }
0xc6: {  	[dreg:$0x1] =	wrdreg $0xFFFFFFFF  }
0xc7: {  	_ =	task.clear_ibuf [dreg:s7], $0x2FFFF;
	_ =	strace $0x9FFFFFFF  }
0xc8: {  	(tm) =	ssettm $0x7FFFFFFF  }
0xc9: {  	_ =	shalt  }
tec
execute0_lowered:
.L_overlay_start_1:
0x0: {  	(tag) =	ssettag $0x1  }
0x1: {  	s0 =	rddreg [dreg:$0x0]  }
0x2: {  	s5 =	rddreg [dreg:$0x1];
	s3 =	srdreg.scid  }
0x3: {  	s2 =	simm.s32 $0x0;
	s1 =	stileid.u32;
	s26 =	simm.s32 $0x880  }
0x4: {  	s10 =	simm.s32 $0x1880;
	s11 =	simm.s32 $0x2080;
	s12 =	simm.s32 $0x2880  }
0x5: {  	s13 =	simm.s32 $0x3080;
	s14 =	simm.s32 $0x3880;
	s15 =	simm.s32 $0x4080  }
0x6: {  	s16 =	simm.s32 $0x4880;
	s17 =	simm.s32 $0x5080;
	s18 =	simm.s32 $0x5880  }
0x7: {  	s19 =	simm.s32 $0x6080;
	s20 =	simm.s32 $0x6880;
	s21 =	simm.s32 $0x7080  }
0x8: {  	s22 =	simm.s32 $0x7880;
	s28 =	simm.s32 $0xA080;
	s29 =	simm.s32 $0xA880  }
0x9: {  	s30 =	simm.s32 $0xB080;
	s31 =	simm.s32 $0xB880;
	s3 =	sand.u32 $0x1, s3  }
0xa: {  	[smem:$0x7FF] =	sst s2;
	s4 =	sshll.u32 s1, $0x4;
	s6 =	sshll.u32 s3, $0x3  }
0xb: {  	_ =	strace $0x8000004A;
	s23 =	ssub.s32 $0x2, s3;
	s3 =	sadd.s32 $0x1800, s0  }
0xc: {  	[dreg:$0x5] =	wrdreg s26;
	s26 =	simm.s32 $0x9880;
	s4 =	sor.u32 s6, s4  }
0xd: {  	s8 =	sshrl.u32 s23, $0x1;
	s7 =	sadd.s32 s4, s0;
	s9 =	smul.u32 $0x300, s4  }
0xe: {  	s6 =	ssub.s32 s23, s8;
	s4 =	sadd.s32 $0x1900, s0;
	s8 =	simm.s32 $0x80  }
0xf: {  	s23 =	simm.s32 $0x8080;
	s24 =	sadd.s32 $0x1600, s7;
	s6 =	smax.u32 s6, $0x1  }
0x10: {  	v2 =	vlaneseq.u32;
	s7 =	simm.s32 $0x2;
	[dreg:$0x3] =	wrdreg s24;
	s25 =	sadd.s32 s5, s9  }
0x11: {  	vm0 =	vmmov $0xffff;
	v1 =	vshrl.u32 v2, $0x3;
	s5 =	sadd.s32 $0x1A00, s0;
	s9 =	simm.s32 $0x1080;
	s24 =	simm.s32 $0x8880  }
0x12: {  	v0 =	vand.u32 $0x7, v2;
	v2 =	vor.u32 $0x8, v2;
	v1 =	vmul.u32 $0x8, v1;
	s0 =	simm.s32 $0x1;
	[dreg:$0x4] =	wrdreg s25;
	s25 =	simm.s32 $0x9080  }
.LBB2_1:
0x13: {  	s1 =	rddreg [dreg:$0x3]  }
0x14: {  	[tilespmem:s2], [sflag:$0x2] =	stream.linear.gather [hbm4b:s1+s2], $0x40, $0x38;
	[tilespmem:$0xC080] =	vst v63  }
0x15: {  	_ =	swait.ge [sflag:s7], $0x40  }
0x16: {  	[sflag:s7] =	ssyncset.done $0x0  }
0x17: {  	[sflag:s7] =	ssyncadd.s32 $0xFFFFFFC0  }
0x18: {  	v3 =	vld [tilespmem:$0x0];
	_ =	sdelay $0x4  }
0x19: {  	v4 =	vshrl.u32 v3, $0x3  }
0x1a: {  	v4 =	vmul.u32 $0x30, v4  }
0x1b: {  	v3 =	vand.u32 $0x7, v3  }
0x1c: {  	v3 =	vor.u32 v3, v4  }
0x1d: {  	v4 =	vperm.xlane v3, v0;
	_ =	sdelay $0x1  }
0x1e: {  	v4 =	vadd.s32 v1, v4;
	_ =	sdelay $0x3  }
0x1f: {  	v3 =	vperm.xlane v3, v2  }
0x20: {  	[tilespmem:s8], [sflag:$0x1] =	stream.indirect_vreg.gather [hbm4b:s3+s2], $0x80, v4, vm0, $0xb8;
	[tilespmem:$0xC080] =	vst v63  }
0x21: {  	s1 =	rddreg [dreg:$0x5];
	v3 =	vadd.s32 v1, v3  }
0x22: {  	[tilespmem:s1], [sflag:$0x1] =	stream.indirect_vreg.gather [hbm4b:s4+s2], $0x80, v4, vm0, $0xb8;
	[tilespmem:$0xC080] =	vst v63  }
0x23: {  	_ = 	snop  }
0x24: {  	[tilespmem:s9], [sflag:$0x1] =	stream.indirect_vreg.gather [hbm4b:s5+s2], $0x80, v4, vm0, $0xb8;
	[tilespmem:$0xC080] =	vst v63  }
0x25: {  	_ = 	snop  }
0x26: {  	[tilespmem:s10], [sflag:$0x1] =	stream.indirect_vreg.gather [hbm4b:s3+s2], $0x80, v3, vm0, $0xb8;
	[tilespmem:$0xC080] =	vst v63  }
0x27: {  	_ = 	snop  }
0x28: {  	[tilespmem:s11], [sflag:$0x1] =	stream.indirect_vreg.gather [hbm4b:s4+s2], $0x80, v3, vm0, $0xb8;
	[tilespmem:$0xC080] =	vst v63  }
0x29: {  	_ = 	snop  }
0x2a: {  	[tilespmem:s12], [sflag:$0x1] =	stream.indirect_vreg.gather [hbm4b:s5+s2], $0x80, v3, vm0, $0xb8;
	[tilespmem:$0xC080] =	vst v63  }
0x2b: {  	v3 =	vld [tilespmem:$0x10];
	_ =	sdelay $0x4  }
0x2c: {  	v61 =	vshrl.u32 v3, $0x3  }
0x2d: {  	v4 =	vmul.u32 $0x30, v61  }
0x2e: {  	v3 =	vand.u32 $0x7, v3  }
0x2f: {  	v3 =	vor.u32 v3, v4  }
0x30: {  	v4 =	vperm.xlane v3, v0;
	_ =	sdelay $0x1  }
0x31: {  	v4 =	vadd.s32 v1, v4;
	_ =	sdelay $0x3  }
0x32: {  	v3 =	vperm.xlane v3, v2  }
0x33: {  	[tilespmem:s13], [sflag:$0x1] =	stream.indirect_vreg.gather [hbm4b:s3+s2], $0x80, v4, vm0, $0xb8;
	[tilespmem:$0xC080] =	vst v63  }
0x34: {  	v3 =	vadd.s32 v1, v3  }
0x35: {  	[tilespmem:s14], [sflag:$0x1] =	stream.indirect_vreg.gather [hbm4b:s4+s2], $0x80, v4, vm0, $0xb8;
	[tilespmem:$0xC080] =	vst v63  }
0x36: {  	_ = 	snop  }
0x37: {  	[tilespmem:s15], [sflag:$0x1] =	stream.indirect_vreg.gather [hbm4b:s5+s2], $0x80, v4, vm0, $0xb8;
	[tilespmem:$0xC080] =	vst v63  }
0x38: {  	_ = 	snop  }
0x39: {  	[tilespmem:s16], [sflag:$0x1] =	stream.indirect_vreg.gather [hbm4b:s3+s2], $0x80, v3, vm0, $0xb8;
	[tilespmem:$0xC080] =	vst v63  }
0x3a: {  	_ = 	snop  }
0x3b: {  	[tilespmem:s17], [sflag:$0x1] =	stream.indirect_vreg.gather [hbm4b:s4+s2], $0x80, v3, vm0, $0xb8;
	[tilespmem:$0xC080] =	vst v63  }
0x3c: {  	_ = 	snop  }
0x3d: {  	[tilespmem:s18], [sflag:$0x1] =	stream.indirect_vreg.gather [hbm4b:s5+s2], $0x80, v3, vm0, $0xb8;
	[tilespmem:$0xC080] =	vst v63  }
0x3e: {  	v3 =	vld [tilespmem:$0x20];
	_ =	sdelay $0x4  }
0x3f: {  	v62 =	vshrl.u32 v3, $0x3  }
0x40: {  	v4 =	vmul.u32 $0x30, v62  }
0x41: {  	v3 =	vand.u32 $0x7, v3  }
0x42: {  	v3 =	vor.u32 v3, v4  }
0x43: {  	v4 =	vperm.xlane v3, v0;
	_ =	sdelay $0x1  }
0x44: {  	v4 =	vadd.s32 v1, v4;
	_ =	sdelay $0x3  }
0x45: {  	v3 =	vperm.xlane v3, v2  }
0x46: {  	[tilespmem:s19], [sflag:$0x1] =	stream.indirect_vreg.gather [hbm4b:s3+s2], $0x80, v4, vm0, $0xb8;
	[tilespmem:$0xC080] =	vst v63  }
0x47: {  	v3 =	vadd.s32 v1, v3  }
0x48: {  	[tilespmem:s20], [sflag:$0x1] =	stream.indirect_vreg.gather [hbm4b:s4+s2], $0x80, v4, vm0, $0xb8;
	[tilespmem:$0xC080] =	vst v63  }
0x49: {  	_ = 	snop  }
0x4a: {  	[tilespmem:s21], [sflag:$0x1] =	stream.indirect_vreg.gather [hbm4b:s5+s2], $0x80, v4, vm0, $0xb8;
	[tilespmem:$0xC080] =	vst v63  }
0x4b: {  	_ = 	snop  }
0x4c: {  	[tilespmem:s22], [sflag:$0x1] =	stream.indirect_vreg.gather [hbm4b:s3+s2], $0x80, v3, vm0, $0xb8;
	[tilespmem:$0xC080] =	vst v63  }
0x4d: {  	_ = 	snop  }
0x4e: {  	[tilespmem:s23], [sflag:$0x1] =	stream.indirect_vreg.gather [hbm4b:s4+s2], $0x80, v3, vm0, $0xb8;
	[tilespmem:$0xC080] =	vst v63  }
0x4f: {  	_ = 	snop  }
0x50: {  	[tilespmem:s24], [sflag:$0x1] =	stream.indirect_vreg.gather [hbm4b:s5+s2], $0x80, v3, vm0, $0xb8;
	[tilespmem:$0xC080] =	vst v63  }
0x51: {  	v3 =	vld [tilespmem:$0x30];
	_ =	sdelay $0x4  }
0x52: {  	v63 =	vshrl.u32 v3, $0x3  }
0x53: {  	v4 =	vmul.u32 $0x30, v63  }
0x54: {  	v3 =	vand.u32 $0x7, v3  }
0x55: {  	v3 =	vor.u32 v3, v4  }
0x56: {  	v4 =	vperm.xlane v3, v0;
	_ =	sdelay $0x1  }
0x57: {  	v4 =	vadd.s32 v1, v4;
	_ =	sdelay $0x3  }
0x58: {  	v3 =	vperm.xlane v3, v2  }
0x59: {  	[tilespmem:s25], [sflag:$0x1] =	stream.indirect_vreg.gather [hbm4b:s3+s2], $0x80, v4, vm0, $0xb8;
	[tilespmem:$0xC080] =	vst v63  }
0x5a: {  	v3 =	vadd.s32 v1, v3  }
0x5b: {  	[tilespmem:s26], [sflag:$0x1] =	stream.indirect_vreg.gather [hbm4b:s4+s2], $0x80, v4, vm0, $0xb8;
	[tilespmem:$0xC080] =	vst v63  }
0x5c: {  	_ = 	snop  }
0x5d: {  	[tilespmem:s28], [sflag:$0x1] =	stream.indirect_vreg.gather [hbm4b:s5+s2], $0x80, v4, vm0, $0xb8;
	[tilespmem:$0xC080] =	vst v63  }
0x5e: {  	_ = 	snop  }
0x5f: {  	[tilespmem:s29], [sflag:$0x1] =	stream.indirect_vreg.gather [hbm4b:s3+s2], $0x80, v3, vm0, $0xb8;
	[tilespmem:$0xC080] =	vst v63  }
0x60: {  	_ = 	snop  }
0x61: {  	[tilespmem:s30], [sflag:$0x1] =	stream.indirect_vreg.gather [hbm4b:s4+s2], $0x80, v3, vm0, $0xb8;
	[tilespmem:$0xC080] =	vst v63  }
0x62: {  	_ = 	snop  }
0x63: {  	[tilespmem:s31], [sflag:$0x1] =	stream.indirect_vreg.gather [hbm4b:s5+s2], $0x80, v3, vm0, $0xb8;
	[tilespmem:$0xC080] =	vst v63  }
0x64: {  	_ =	swait.ge [sflag:s0], $0xC000  }
0x65: {  	p0 =	sne.s32 s6, $0x1;
	[sflag:s0] =	ssyncset.done $0x0  }
.Ltmp0:
0x66: {  	s1 =	rddreg [dreg:$0x4];
	[sflag:s0] =	ssyncadd.s32 $0xFFFF4000;
	(pc) =	sbr.rel @p0 .LBB2_1-.Ltmp0, $4  }
0x67: {  	[hbm4b:s1+s2] =	stream.linear.scatter [tilespmem:s8], [sflag:$0x2], $0xC000, $0x38;
	[tilespmem:$0xC080] =	vst v63  }
0x68: {  	_ =	swait.ge [sflag:s7], $0xC000  }
0x69: {  	[sflag:s7] =	ssyncset.done $0x0  }
0x6a: {  	s6 =	sadd.s32 $0xFFFFFFFF, s6;
	[sflag:s7] =	ssyncadd.s32 $0xFFFF4000  }
0x6b: {  	_ =	sfence.sel $0x180000  }
0x6c: {  	[bflag:$0x0] =	sbarrier.arrive $0xFFFF  }
0x6d: {  	_ =	strace $0x9000004A  }
0x6e: {  	s0 =	stileid.u32;
	[bflag:$0x2] =	sbarrier.arrive $0xFFFF  }
0x6f: {  	p0 =	sne.s32 s0, $0x0;
	s0 =	rddreg [dreg:$0x2]  }
0x70: {  	s0 =	sadd.s32 @!p0 $0x100000, s0  }
0x71: {  	[sflag:s0] =	ssyncadd.tile.s32 @!p0 $0x1;
	_ =	shalt  }
.Lfunc_end2:
_tile_overlayer_lowered:
.L_overlay_start_2:
0x72: {  	(tag) =	ssettag $0x2  }
0x73: {  	s0 =	rddreg [dreg:$0x0];
	s2 =	stileid.u32  }
0x74: {  	s1 =	rddreg [dreg:$0x1];
	p0 =	sne.s32 s2, $0x0  }
0x75: {  	s3 =	rddreg [dreg:$0x2];
	[bflag:$0x3] =	sbarrier.arrive $0xFFFF;
	s2 =	simm.s32 @!p0 $0x1C02  }
0x76: {  	[timem:s3], [sflag:s2] =	dma.local @!p0 [hbm:s0], s1  }
0x77: {  	s0 =	simm.s32 @!p0 $0x2  }
0x78: {  	_ =	swait.ge @!p0 [sflag:s0], s1  }
0x79: {  	s1 =	ssub.s32 @!p0 $0x0, s1;
	[sflag:s0] =	ssyncset.done @!p0 $0x0  }
0x7a: {  	[sflag:s0] =	ssyncadd.s32 @!p0 s1  }
0x7b: {  	[bflag:$0x3] =	sbarrier.arrive $0xFFFF  }
0x7c: {  	_ =	shalt  }

</sc_bundles>
